<compile_context>
chip_gen: v7x
topology: tpu7x:2x2x1
jax: 0.10.2.dev20260603
libtpu: 0.0.44.dev20260713+nightly
codegen_flags: <defaults>
</compile_context>

<pallas_src>
import dataclasses
import functools

import jax
import jax.numpy as jnp
from jax import lax
from jax.experimental import pallas as pl
from jax.experimental.pallas import tpu as pltpu
from jax.experimental.pallas import tpu_sc as plsc

_N = 10000
_F = 128
_E = 320000
_NC = 2
_NS = 16
_NW = _NC * _NS
_CHUNK = 128
_NCHUNK = _E // _CHUNK
_FULL = _NCHUNK // _NW
_RPS = 624
_RT = _N - _NS * _RPS

_MESH = plsc.VectorSubcoreMesh(core_axis_name="c", subcore_axis_name="s")


def _init_acc(zrow_h, acc_s, s):
    row0 = s * _RPS
    pltpu.sync_copy(zrow_h.at[pl.ds(row0, _RPS)],
                    acc_s.at[pl.ds(row0, _RPS)])

    @pl.when(s == 0)
    def _tail():
        pltpu.sync_copy(zrow_h.at[pl.ds(_NS * _RPS, _RT)],
                        acc_s.at[pl.ds(_NS * _RPS, _RT)])


def _drain_acc(acc_s, out_h, c, s):
    row0 = s * _RPS
    pltpu.sync_copy(acc_s.at[pl.ds(row0, _RPS)],
                    out_h.at[c, pl.ds(row0, _RPS)])

    @pl.when(s == 0)
    def _tail():
        pltpu.sync_copy(acc_s.at[pl.ds(_NS * _RPS, _RT)],
                        out_h.at[c, pl.ds(_NS * _RPS, _RT)])


def _sc_aggregate(table, edge_index, zrow, with_hist):
    out_type = [jax.ShapeDtypeStruct((_NC, _N, _F), jnp.float32)]
    if with_hist:
        out_type.append(jax.ShapeDtypeStruct((_NC, _NS, _N), jnp.float32))
    hist_scratch = [pltpu.VMEM((_N,), jnp.float32)] if with_hist else []
    cp = pltpu.CompilerParams()
    if with_hist and (
            "needs_layout_passes" in pltpu.CompilerParams.__dataclass_fields__):
        cp = dataclasses.replace(cp, needs_layout_passes=False)

    @functools.partial(
        pl.kernel,
        out_type=out_type,
        mesh=_MESH,
        compiler_params=cp,
        scratch_types=hist_scratch + [
            pltpu.VMEM((_CHUNK,), jnp.int32),
            pltpu.VMEM((_CHUNK,), jnp.int32),
            pltpu.VMEM((_CHUNK,), jnp.int32),
            pltpu.VMEM((_CHUNK,), jnp.int32),
            pltpu.VMEM((_CHUNK,), jnp.int32),
            pltpu.VMEM((_CHUNK,), jnp.int32),
            pltpu.VMEM((_CHUNK, _F), jnp.float32),
            pltpu.VMEM((_CHUNK, _F), jnp.float32),
            pltpu.VMEM_SHARED((_N, _F), jnp.float32),
            pltpu.SemaphoreType.DMA,
            pltpu.SemaphoreType.DMA,
            pltpu.SemaphoreType.DMA,
            pltpu.SemaphoreType.DMA,
            pltpu.SemaphoreType.DMA,
            pltpu.SemaphoreType.DMA,
        ],
    )
    def k(*refs):
        if with_hist:
            (table_h, src_h, dst_h, zrow_h, out_h, cnt_h, hist_v,
             si0, si1, di0, di1, ds0, ds1, rows0, rows1, acc_s,
             semg0, semg1, sems0, sems1, semi0, semi1) = refs
        else:
            (table_h, src_h, dst_h, zrow_h, out_h,
             si0, si1, di0, di1, ds0, ds1, rows0, rows1, acc_s,
             semg0, semg1, sems0, sems1, semi0, semi1) = refs
        c = lax.axis_index("c")
        s = lax.axis_index("s")
        wid = s * _NC + c
        ones16 = jnp.full((16,), 1.0, dtype=jnp.float32)
        rows = (rows0, rows1)
        sis = (si0, si1)
        dis = (di0, di1)
        dss = (ds0, ds1)
        semg = (semg0, semg1)
        sems = (sems0, sems1)
        semi = (semi0, semi1)

        def issue_idx(j, b):
            off = (j * _NW + wid) * _CHUNK
            pltpu.async_copy(src_h.at[pl.ds(off, _CHUNK)], sis[b], semi[b])
            pltpu.async_copy(dst_h.at[pl.ds(off, _CHUNK)], dis[b], semi[b])

        def wait_idx(j, b):
            off = (j * _NW + wid) * _CHUNK
            pltpu.make_async_copy(src_h.at[pl.ds(off, _CHUNK)], sis[b],
                                  semi[b]).wait()
            pltpu.make_async_copy(dst_h.at[pl.ds(off, _CHUNK)], dis[b],
                                  semi[b]).wait()

        def bump_hist(di_v, n):
            if with_hist:
                for kk in range(n // 16):
                    idx = di_v[pl.ds(kk * 16, 16)]
                    plsc.addupdate_scatter(hist_v, [idx], ones16)

        issue_idx(0, 0)
        issue_idx(1, 1)
        wait_idx(0, 0)
        pltpu.async_copy(table_h.at[si0], rows0, semg0)
        _init_acc(zrow_h, acc_s, s)
        if with_hist:
            @pl.loop(0, _N // 16)
            def _(i):
                hist_v[pl.ds(i * 16, 16)] = jnp.zeros((16,), jnp.float32)
        plsc.subcore_barrier()

        def step(j, b):
            pltpu.make_async_copy(table_h.at[sis[b]], rows[b],
                                  semg[b]).wait()
            for kk in range(_CHUNK // 16):
                dss[b][pl.ds(kk * 16, 16)] = dis[b][pl.ds(kk * 16, 16)]
            pltpu.async_copy(rows[b], acc_s.at[dss[b]], sems[b], add=True)
            bump_hist(dss[b], _CHUNK)

            @pl.when(j + 2 < _FULL)
            def _prefetch_idx():
                issue_idx(j + 2, b)

            jn = j + 1
            bn = 1 - b

            @pl.when(jn < _FULL)
            def _issue_gather():
                @pl.when(jn >= 2)
                def _drain_prev():
                    pltpu.make_async_copy(rows[bn], acc_s.at[dss[bn]],
                                          sems[bn]).wait()
                wait_idx(jn, bn)
                pltpu.async_copy(table_h.at[sis[bn]], rows[bn], semg[bn])

        @pl.loop(0, _FULL // 2)
        def _(i):
            step(2 * i, 0)
            step(2 * i + 1, 1)

        pltpu.make_async_copy(rows0, acc_s.at[ds0], sems0).wait()
        pltpu.make_async_copy(rows1, acc_s.at[ds1], sems1).wait()

        @pl.when(wid < 4)
        def _extra_chunk():
            off = (_FULL * _NW + wid) * _CHUNK
            pltpu.sync_copy(src_h.at[pl.ds(off, _CHUNK)], si0)
            pltpu.sync_copy(dst_h.at[pl.ds(off, _CHUNK)], ds0)
            pltpu.async_copy(table_h.at[si0], rows0, semg0).wait()
            pltpu.sync_copy(rows0, acc_s.at[ds0], add=True)
            bump_hist(ds0, _CHUNK)

        plsc.subcore_barrier()
        _drain_acc(acc_s, out_h, c, s)
        if with_hist:
            pltpu.sync_copy(hist_v, cnt_h.at[c, s])

    return k(table, edge_index[0], edge_index[1], zrow)


def _tc_rinv(hists):
    def body(h_ref, o_ref):
        cnt = jnp.sum(h_ref[...], axis=(0, 1))
        o_ref[...] = (1.0 / jnp.maximum(cnt, 1.0))[None, :]

    return pl.pallas_call(
        body,
        out_shape=jax.ShapeDtypeStruct((1, _N), jnp.float32),
    )(hists)


def _tc_layer(partials, rinv, x, wl_t, bias, wr_t, relu):
    rows = 1000

    dn = (((1,), (1,)), ((), ()))

    def body(p_ref, r_ref, x_ref, wl_ref, b_ref, wr_ref, o_ref):
        mean = (p_ref[0] + p_ref[1]) * r_ref[...]
        acc = lax.dot_general(mean, wl_ref[...], dn,
                              preferred_element_type=jnp.float32,
                              precision=lax.Precision.HIGHEST)
        acc = acc + lax.dot_general(x_ref[...], wr_ref[...], dn,
                                    preferred_element_type=jnp.float32,
                                    precision=lax.Precision.HIGHEST)
        acc = acc + b_ref[...]
        if relu:
            acc = jnp.maximum(acc, 0.0)
        o_ref[...] = acc

    return pl.pallas_call(
        body,
        grid=(_N // rows,),
        in_specs=[
            pl.BlockSpec((_NC, rows, _F), lambda i: (0, i, 0)),
            pl.BlockSpec((rows, 1), lambda i: (i, 0)),
            pl.BlockSpec((rows, _F), lambda i: (i, 0)),
            pl.BlockSpec((_F, _F), lambda i: (0, 0)),
            pl.BlockSpec((1, _F), lambda i: (0, 0)),
            pl.BlockSpec((_F, _F), lambda i: (0, 0)),
        ],
        out_specs=pl.BlockSpec((rows, _F), lambda i: (i, 0)),
        out_shape=jax.ShapeDtypeStruct((_N, _F), jnp.float32),
    )(partials, rinv, x, wl_t, bias, wr_t)


def kernel(x, edge_index, Wl1, bl1, Wr1, Wl2, bl2, Wr2):
    zrow = jnp.zeros((_N, _F), jnp.float32)

    p1, hists = _sc_aggregate(x, edge_index, zrow, with_hist=True)
    rinv = _tc_rinv(hists).reshape(_N, 1)
    h = _tc_layer(p1, rinv, x, Wl1, bl1.reshape(1, _F), Wr1, relu=True)
    (p2,) = _sc_aggregate(h, edge_index, zrow, with_hist=False)
    out = _tc_layer(p2, rinv, h, Wl2, bl2.reshape(1, _F), Wr2, relu=False)
    return (out, out)

# --- scband reference (transcript-rebuilt; emitter-appended) ---
"""Pipeline reference for scband-generator-18983755448627 (READ-ONLY COPY).

The authoritative reference and input builder live on the scoring server;
editing this copy changes nothing except your own understanding.
"""

import jax, jax.numpy as jnp
import numpy as np

N = 10000
E = 320000
IN = 128
H = 128
OUT = 128


def setup_inputs(seed: int = 0) -> dict:
    key = jax.random.key(seed)
    ks = jax.random.split(key, 9)
    x = jax.random.normal(ks[0], (N, IN), dtype=jnp.float32)
    edge_index = jax.random.randint(ks[1], (2, E), 0, N, dtype=jnp.int32)
    # reset_parameters() sets every parameter uniform in [0, 1]
    Wl1 = jax.random.uniform(ks[2], (H, IN), dtype=jnp.float32)
    bl1 = jax.random.uniform(ks[3], (H,), dtype=jnp.float32)
    Wr1 = jax.random.uniform(ks[4], (H, IN), dtype=jnp.float32)
    Wl2 = jax.random.uniform(ks[5], (OUT, H), dtype=jnp.float32)
    bl2 = jax.random.uniform(ks[6], (OUT,), dtype=jnp.float32)
    Wr2 = jax.random.uniform(ks[7], (OUT, H), dtype=jnp.float32)
    return {"x": x, "edge_index": edge_index, "Wl1": Wl1, "bl1": bl1, "Wr1": Wr1,
            "Wl2": Wl2, "bl2": bl2, "Wr2": Wr2}


def sage_conv(x, edge_index, Wl, bl, Wr, num_nodes):
    # PyG SAGEConv (mean aggr): out = lin_l(mean_{j in N(i)} x_j) + lin_r(x_i)
    src = edge_index[0]
    dst = edge_index[1]
    msgs = jnp.take(x, src, axis=0)
    summed = jax.ops.segment_sum(msgs, dst, num_segments=num_nodes)
    cnt = jax.ops.segment_sum(jnp.ones((edge_index.shape[1],), x.dtype), dst,
                              num_segments=num_nodes)
    mean = summed / jnp.clip(cnt, 1.0, None)[:, None]
    return mean @ Wl.T + bl + x @ Wr.T


def reference(x, edge_index, Wl1, bl1, Wr1, Wl2, bl2, Wr2):
    h = sage_conv(x, edge_index, Wl1, bl1, Wr1, N)
    h = jax.nn.relu(h)
    out = sage_conv(h, edge_index, Wl2, bl2, Wr2, N)
    return (out, out)

if __name__ == "__main__":
    import jax
    _d = setup_inputs()
    print(jax.jit(kernel)(*tuple(_d.values())))

</pallas_src>

<mosaic_0001>
#map = affine_map<(d0, d1) -> (0, 0)>
#map1 = affine_map<(d0, d1) -> (0)>
#map2 = affine_map<(d0, d1) -> (0, 0, 0)>
module attributes {stable_mosaic.version = 14 : i64} {
  func.func @k(%arg0: i32, %arg1: i32, %arg2: memref<10000x128xf32, #tpu.memory_space<hbm>>, %arg3: memref<320000xi32, #tpu.memory_space<hbm>>, %arg4: memref<320000xi32, #tpu.memory_space<hbm>>, %arg5: memref<10000x128xf32, #tpu.memory_space<hbm>>, %arg6: memref<2x10000x128xf32, #tpu.memory_space<hbm>>, %arg7: memref<128xi32, #tpu.memory_space<vmem>>, %arg8: memref<128xi32, #tpu.memory_space<vmem>>, %arg9: memref<128xi32, #tpu.memory_space<vmem>>, %arg10: memref<128xi32, #tpu.memory_space<vmem>>, %arg11: memref<128xi32, #tpu.memory_space<vmem>>, %arg12: memref<128xi32, #tpu.memory_space<vmem>>, %arg13: memref<128x128xf32, #tpu.memory_space<vmem>>, %arg14: memref<128x128xf32, #tpu.memory_space<vmem>>, %arg15: memref<10000x128xf32, #tpu.memory_space<vmem_shared>>, %arg16: memref<!tpu.dma_semaphore, #tpu.memory_space<semaphore_mem>>, %arg17: memref<!tpu.dma_semaphore, #tpu.memory_space<semaphore_mem>>, %arg18: memref<!tpu.dma_semaphore, #tpu.memory_space<semaphore_mem>>, %arg19: memref<!tpu.dma_semaphore, #tpu.memory_space<semaphore_mem>>, %arg20: memref<!tpu.dma_semaphore, #tpu.memory_space<semaphore_mem>>, %arg21: memref<!tpu.dma_semaphore, #tpu.memory_space<semaphore_mem>>) attributes {dimension_semantics = [#tpu.dimension_semantics<core_parallel>, #tpu.dimension_semantics<subcore_parallel>], iteration_bounds = array<i64: 2, 16>, scalar_prefetch = 0 : i64, scratch_operands = 15 : i64, tpu.core_type = #tpu.core_type<sc_vector_subcore>, window_params = [{transform_indices = #map}, {transform_indices = #map1}, {transform_indices = #map1}, {transform_indices = #map}, {transform_indices = #map2}]} {
    %mul3A = arith.constant 2 : i32
    %mul3A_0 = arith.muli %arg1, %mul3A : i32
    %add3A = arith.addi %mul3A_0, %arg0 : i32
    %broadcast_in_dim3A = arith.constant 1.000000e+00 : f32
    %broadcast_in_dim3A_1 = vector.broadcast %broadcast_in_dim3A : f32 to vector<16xf32>
    %add3A_2 = arith.constant 0 : i32
    %add3A_3 = arith.addi %add3A_2, %add3A : i32
    %mul3A_4 = arith.constant 128 : i32
    %mul3A_5 = arith.muli %add3A_3, %mul3A_4 : i32
    %dma_start3A = tpu.memref_slice %arg3[%mul3A_5] : memref<320000xi32, #tpu.memory_space<hbm>> -> memref<128xi32, #tpu.memory_space<hbm>>
    %dma_start3A_6 = tpu.memref_slice %arg3[%mul3A_5] : memref<320000xi32, #tpu.memory_space<hbm>> -> memref<128xi32, #tpu.memory_space<hbm>>
    tpu.enqueue_dma source(%dma_start3A_6 : memref<128xi32, #tpu.memory_space<hbm>>) target(%arg7 : memref<128xi32, #tpu.memory_space<vmem>>) target_semaphore(%arg20 : memref<!tpu.dma_semaphore, #tpu.memory_space<semaphore_mem>>)
    %dma_start3A_7 = tpu.memref_slice %arg4[%mul3A_5] : memref<320000xi32, #tpu.memory_space<hbm>> -> memref<128xi32, #tpu.memory_space<hbm>>
    %dma_start3A_8 = tpu.memref_slice %arg4[%mul3A_5] : memref<320000xi32, #tpu.memory_space<hbm>> -> memref<128xi32, #tpu.memory_space<hbm>>
    tpu.enqueue_dma source(%dma_start3A_8 : memref<128xi32, #tpu.memory_space<hbm>>) target(%arg9 : memref<128xi32, #tpu.memory_space<vmem>>) target_semaphore(%arg20 : memref<!tpu.dma_semaphore, #tpu.memory_space<semaphore_mem>>)
    %add3A_9 = arith.constant 32 : i32
    %add3A_10 = arith.addi %add3A_9, %add3A : i32
    %mul3A_11 = arith.constant 128 : i32
    %mul3A_12 = arith.muli %add3A_10, %mul3A_11 : i32
    %dma_start3A_13 = tpu.memref_slice %arg3[%mul3A_12] : memref<320000xi32, #tpu.memory_space<hbm>> -> memref<128xi32, #tpu.memory_space<hbm>>
    %dma_start3A_14 = tpu.memref_slice %arg3[%mul3A_12] : memref<320000xi32, #tpu.memory_space<hbm>> -> memref<128xi32, #tpu.memory_space<hbm>>
    tpu.enqueue_dma source(%dma_start3A_14 : memref<128xi32, #tpu.memory_space<hbm>>) target(%arg8 : memref<128xi32, #tpu.memory_space<vmem>>) target_semaphore(%arg21 : memref<!tpu.dma_semaphore, #tpu.memory_space<semaphore_mem>>)
    %dma_start3A_15 = tpu.memref_slice %arg4[%mul3A_12] : memref<320000xi32, #tpu.memory_space<hbm>> -> memref<128xi32, #tpu.memory_space<hbm>>
    %dma_start3A_16 = tpu.memref_slice %arg4[%mul3A_12] : memref<320000xi32, #tpu.memory_space<hbm>> -> memref<128xi32, #tpu.memory_space<hbm>>
    tpu.enqueue_dma source(%dma_start3A_16 : memref<128xi32, #tpu.memory_space<hbm>>) target(%arg10 : memref<128xi32, #tpu.memory_space<vmem>>) target_semaphore(%arg21 : memref<!tpu.dma_semaphore, #tpu.memory_space<semaphore_mem>>)
    %add3A_17 = arith.constant 0 : i32
    %add3A_18 = arith.addi %add3A_17, %add3A : i32
    %mul3A_19 = arith.constant 128 : i32
    %mul3A_20 = arith.muli %add3A_18, %mul3A_19 : i32
    %dma_wait3A = tpu.memref_slice %arg3[%mul3A_20] : memref<320000xi32, #tpu.memory_space<hbm>> -> memref<128xi32, #tpu.memory_space<hbm>>
    %dma_wait3A_21 = tpu.memref_slice %arg3[%mul3A_20] : memref<320000xi32, #tpu.memory_space<hbm>> -> memref<128xi32, #tpu.memory_space<hbm>>
    tpu.wait_dma2 semaphore(%arg20 : memref<!tpu.dma_semaphore, #tpu.memory_space<semaphore_mem>>) src(%dma_wait3A_21 : memref<128xi32, #tpu.memory_space<hbm>>) dst(%arg7 : memref<128xi32, #tpu.memory_space<vmem>>)
    %dma_wait3A_22 = tpu.memref_slice %arg4[%mul3A_20] : memref<320000xi32, #tpu.memory_space<hbm>> -> memref<128xi32, #tpu.memory_space<hbm>>
    %dma_wait3A_23 = tpu.memref_slice %arg4[%mul3A_20] : memref<320000xi32, #tpu.memory_space<hbm>> -> memref<128xi32, #tpu.memory_space<hbm>>
    tpu.wait_dma2 semaphore(%arg20 : memref<!tpu.dma_semaphore, #tpu.memory_space<semaphore_mem>>) src(%dma_wait3A_23 : memref<128xi32, #tpu.memory_space<hbm>>) dst(%arg9 : memref<128xi32, #tpu.memory_space<vmem>>)
    %dma_start3A_24 = arith.constant 0 : i32
    %dma_start3A_25 = arith.constant 0 : i32
    %dma_start3A_26 = tpu.memref_slice %arg2[%dma_start3A_24, %dma_start3A_25] : memref<10000x128xf32, #tpu.memory_space<hbm>> -> memref<10000x128xf32, #tpu.memory_space<hbm>>
    tpu.enqueue_indirect_dma source(%dma_start3A_26 : memref<10000x128xf32, #tpu.memory_space<hbm>>) target(%arg13 : memref<128x128xf32, #tpu.memory_space<vmem>>) offsets(%arg7 : memref<128xi32, #tpu.memory_space<vmem>>) semaphore(%arg16 : memref<!tpu.dma_semaphore, #tpu.memory_space<semaphore_mem>>)
    %mul3A_27 = arith.constant 624 : i32
    %mul3A_28 = arith.muli %arg1, %mul3A_27 : i32
    "tpu.region"() ({
      %run_scoped3A = tpu.sem_alloc : memref<!tpu.dma_semaphore, #tpu.memory_space<semaphore_mem>>
      %dma_start3A_53 = arith.constant 0 : i32
      %dma_start3A_54 = tpu.memref_slice %arg15[%mul3A_28, %dma_start3A_53] : memref<10000x128xf32, #tpu.memory_space<vmem_shared>> -> memref<624x128xf32, #tpu.memory_space<vmem_shared>>
      %dma_start3A_55 = arith.constant 0 : i32
      %dma_start3A_56 = tpu.memref_slice %arg5[%mul3A_28, %dma_start3A_55] : memref<10000x128xf32, #tpu.memory_space<hbm>> -> memref<624x128xf32, #tpu.memory_space<hbm>>
      tpu.enqueue_dma source(%dma_start3A_56 : memref<624x128xf32, #tpu.memory_space<hbm>>) target(%dma_start3A_54 : memref<624x128xf32, #tpu.memory_space<vmem_shared>>) target_semaphore(%run_scoped3A : memref<!tpu.dma_semaphore, #tpu.memory_space<semaphore_mem>>)
      %dma_wait3A_57 = arith.constant 0 : i32
      %dma_wait3A_58 = tpu.memref_slice %arg15[%mul3A_28, %dma_wait3A_57] : memref<10000x128xf32, #tpu.memory_space<vmem_shared>> -> memref<624x128xf32, #tpu.memory_space<vmem_shared>>
      %dma_wait3A_59 = arith.constant 0 : i32
      %dma_wait3A_60 = tpu.memref_slice %arg5[%mul3A_28, %dma_wait3A_59] : memref<10000x128xf32, #tpu.memory_space<hbm>> -> memref<624x128xf32, #tpu.memory_space<hbm>>
      tpu.wait_dma2 semaphore(%run_scoped3A : memref<!tpu.dma_semaphore, #tpu.memory_space<semaphore_mem>>) src(%dma_wait3A_60 : memref<624x128xf32, #tpu.memory_space<hbm>>) dst(%dma_wait3A_58 : memref<624x128xf32, #tpu.memory_space<vmem_shared>>)
      tpu.yield
    }) : () -> ()
    %eq3A = arith.constant 0 : i32
    %eq3A_29 = arith.cmpi eq, %arg1, %eq3A : i32
    %convert_element_type3A = arith.extui %eq3A_29 : i1 to i32
    %cond3A = arith.constant 0 : i32
    %cond3A_30 = arith.cmpi ne, %convert_element_type3A, %cond3A : i32
    scf.if %cond3A_30 {
      "tpu.region"() ({
        %run_scoped3A = tpu.sem_alloc : memref<!tpu.dma_semaphore, #tpu.memory_space<semaphore_mem>>
        %dma_start3A_53 = arith.constant 9984 : i32
        %dma_start3A_54 = arith.constant 0 : i32
        %dma_start3A_55 = tpu.memref_slice %arg15[%dma_start3A_53, %dma_start3A_54] : memref<10000x128xf32, #tpu.memory_space<vmem_shared>> -> memref<16x128xf32, #tpu.memory_space<vmem_shared>>
        %dma_start3A_56 = arith.constant 9984 : i32
        %dma_start3A_57 = arith.constant 0 : i32
        %dma_start3A_58 = tpu.memref_slice %arg5[%dma_start3A_56, %dma_start3A_57] : memref<10000x128xf32, #tpu.memory_space<hbm>> -> memref<16x128xf32, #tpu.memory_space<hbm>>
        tpu.enqueue_dma source(%dma_start3A_58 : memref<16x128xf32, #tpu.memory_space<hbm>>) target(%dma_start3A_55 : memref<16x128xf32, #tpu.memory_space<vmem_shared>>) target_semaphore(%run_scoped3A : memref<!tpu.dma_semaphore, #tpu.memory_space<semaphore_mem>>)
        %dma_wait3A_59 = arith.constant 9984 : i32
        %dma_wait3A_60 = arith.constant 0 : i32
        %dma_wait3A_61 = tpu.memref_slice %arg15[%dma_wait3A_59, %dma_wait3A_60] : memref<10000x128xf32, #tpu.memory_space<vmem_shared>> -> memref<16x128xf32, #tpu.memory_space<vmem_shared>>
        %dma_wait3A_62 = arith.constant 9984 : i32
        %dma_wait3A_63 = arith.constant 0 : i32
        %dma_wait3A_64 = tpu.memref_slice %arg5[%dma_wait3A_62, %dma_wait3A_63] : memref<10000x128xf32, #tpu.memory_space<hbm>> -> memref<16x128xf32, #tpu.memory_space<hbm>>
        tpu.wait_dma2 semaphore(%run_scoped3A : memref<!tpu.dma_semaphore, #tpu.memory_space<semaphore_mem>>) src(%dma_wait3A_64 : memref<16x128xf32, #tpu.memory_space<hbm>>) dst(%dma_wait3A_61 : memref<16x128xf32, #tpu.memory_space<vmem_shared>>)
        tpu.yield
      }) : () -> ()
    } else {
    }
    %barrier3A = arith.constant 0 : index
    tpu.barrier barrier_id(%barrier3A)
    %scan3A = arith.constant 0 : i32
    %scan3A_31 = arith.constant 39 : i32
    %scan3A_32 = arith.addi %scan3A, %scan3A_31 : i32
    %scan3A_33 = arith.constant 1 : i32
    scf.for %scan3A_53 = %scan3A to %scan3A_32 step %scan3A_33  : i32 {
      %mul3A_54 = arith.constant 1 : i32
      %mul3A_55 = arith.muli %scan3A_53, %mul3A_54 : i32
      %add3A_56 = arith.constant 0 : i32
      %add3A_57 = arith.addi %add3A_56, %mul3A_55 : i32
      %mul3A_58 = arith.constant 2 : i32
      %mul3A_59 = arith.muli %mul3A_58, %add3A_57 : i32
      %dma_wait3A_60 = arith.constant 0 : i32
      %dma_wait3A_61 = arith.constant 0 : i32
      %dma_wait3A_62 = tpu.memref_slice %arg2[%dma_wait3A_60, %dma_wait3A_61] : memref<10000x128xf32, #tpu.memory_space<hbm>> -> memref<10000x128xf32, #tpu.memory_space<hbm>>
      tpu.wait_indirect_dma semaphore(%arg16 : memref<!tpu.dma_semaphore, #tpu.memory_space<semaphore_mem>>) src(%dma_wait3A_62 : memref<10000x128xf32, #tpu.memory_space<hbm>>) dst(%arg13 : memref<128x128xf32, #tpu.memory_space<vmem>>)
      %get3A = arith.constant 0 : index
      %get3A_63 = tpu.vector_load %arg9[%get3A] {strides = array<i32>} : memref<128xi32, #tpu.memory_space<vmem>>, vector<16xi32>,
      %swap3A = arith.constant 0 : index
      %swap3A_64 = tpu.vector_load %arg11[%swap3A] {strides = array<i32>} : memref<128xi32, #tpu.memory_space<vmem>>, vector<16xi32>,
      tpu.vector_store %arg11[%swap3A], %get3A_63 {strides = array<i32>} : memref<128xi32, #tpu.memory_space<vmem>>, vector<16xi32>,
      %get3A_65 = arith.constant 16 : index
      %get3A_66 = tpu.vector_load %arg9[%get3A_65] {strides = array<i32>} : memref<128xi32, #tpu.memory_space<vmem>>, vector<16xi32>,
      %swap3A_67 = arith.constant 16 : index
      %swap3A_68 = tpu.vector_load %arg11[%swap3A_67] {strides = array<i32>} : memref<128xi32, #tpu.memory_space<vmem>>, vector<16xi32>,
      tpu.vector_store %arg11[%swap3A_67], %get3A_66 {strides = array<i32>} : memref<128xi32, #tpu.memory_space<vmem>>, vector<16xi32>,
      %get3A_69 = arith.constant 32 : index
      %get3A_70 = tpu.vector_load %arg9[%get3A_69] {strides = array<i32>} : memref<128xi32, #tpu.memory_space<vmem>>, vector<16xi32>,
      %swap3A_71 = arith.constant 32 : index
      %swap3A_72 = tpu.vector_load %arg11[%swap3A_71] {strides = array<i32>} : memref<128xi32, #tpu.memory_space<vmem>>, vector<16xi32>,
      tpu.vector_store %arg11[%swap3A_71], %get3A_70 {strides = array<i32>} : memref<128xi32, #tpu.memory_space<vmem>>, vector<16xi32>,
      %get3A_73 = arith.constant 48 : index
      %get3A_74 = tpu.vector_load %arg9[%get3A_73] {strides = array<i32>} : memref<128xi32, #tpu.memory_space<vmem>>, vector<16xi32>,
      %swap3A_75 = arith.constant 48 : index
      %swap3A_76 = tpu.vector_load %arg11[%swap3A_75] {strides = array<i32>} : memref<128xi32, #tpu.memory_space<vmem>>, vector<16xi32>,
      tpu.vector_store %arg11[%swap3A_75], %get3A_74 {strides = array<i32>} : memref<128xi32, #tpu.memory_space<vmem>>, vector<16xi32>,
      %get3A_77 = arith.constant 64 : index
      %get3A_78 = tpu.vector_load %arg9[%get3A_77] {strides = array<i32>} : memref<128xi32, #tpu.memory_space<vmem>>, vector<16xi32>,
      %swap3A_79 = arith.constant 64 : index
      %swap3A_80 = tpu.vector_load %arg11[%swap3A_79] {strides = array<i32>} : memref<128xi32, #tpu.memory_space<vmem>>, vector<16xi32>,
      tpu.vector_store %arg11[%swap3A_79], %get3A_78 {strides = array<i32>} : memref<128xi32, #tpu.memory_space<vmem>>, vector<16xi32>,
      %get3A_81 = arith.constant 80 : index
      %get3A_82 = tpu.vector_load %arg9[%get3A_81] {strides = array<i32>} : memref<128xi32, #tpu.memory_space<vmem>>, vector<16xi32>,
      %swap3A_83 = arith.constant 80 : index
      %swap3A_84 = tpu.vector_load %arg11[%swap3A_83] {strides = array<i32>} : memref<128xi32, #tpu.memory_space<vmem>>, vector<16xi32>,
      tpu.vector_store %arg11[%swap3A_83], %get3A_82 {strides = array<i32>} : memref<128xi32, #tpu.memory_space<vmem>>, vector<16xi32>,
      %get3A_85 = arith.constant 96 : index
      %get3A_86 = tpu.vector_load %arg9[%get3A_85] {strides = array<i32>} : memref<128xi32, #tpu.memory_space<vmem>>, vector<16xi32>,
      %swap3A_87 = arith.constant 96 : index
      %swap3A_88 = tpu.vector_load %arg11[%swap3A_87] {strides = array<i32>} : memref<128xi32, #tpu.memory_space<vmem>>, vector<16xi32>,
      tpu.vector_store %arg11[%swap3A_87], %get3A_86 {strides = array<i32>} : memref<128xi32, #tpu.memory_space<vmem>>, vector<16xi32>,
      %get3A_89 = arith.constant 112 : index
      %get3A_90 = tpu.vector_load %arg9[%get3A_89] {strides = array<i32>} : memref<128xi32, #tpu.memory_space<vmem>>, vector<16xi32>,
      %swap3A_91 = arith.constant 112 : index
      %swap3A_92 = tpu.vector_load %arg11[%swap3A_91] {strides = array<i32>} : memref<128xi32, #tpu.memory_space<vmem>>, vector<16xi32>,
      tpu.vector_store %arg11[%swap3A_91], %get3A_90 {strides = array<i32>} : memref<128xi32, #tpu.memory_space<vmem>>, vector<16xi32>,
      %dma_start3A_93 = arith.constant 0 : i32
      %dma_start3A_94 = arith.constant 0 : i32
      %dma_start3A_95 = tpu.memref_slice %arg15[%dma_start3A_93, %dma_start3A_94] : memref<10000x128xf32, #tpu.memory_space<vmem_shared>> -> memref<10000x128xf32, #tpu.memory_space<vmem_shared>>
      tpu.enqueue_indirect_dma source(%arg13 : memref<128x128xf32, #tpu.memory_space<vmem>>) target(%dma_start3A_95 : memref<10000x128xf32, #tpu.memory_space<vmem_shared>>) offsets(%arg11 : memref<128xi32, #tpu.memory_space<vmem>>) semaphore(%arg18 : memref<!tpu.dma_semaphore, #tpu.memory_space<semaphore_mem>>) {add = true}
      %add3A_96 = arith.constant 2 : i32
      %add3A_97 = arith.addi %mul3A_59, %add3A_96 : i32
      %lt3A_98 = arith.constant 78 : i32
      %lt3A_99 = arith.cmpi slt, %add3A_97, %lt3A_98 : i32
      %convert_element_type3A_100 = arith.extui %lt3A_99 : i1 to i32
      %cond3A_101 = arith.constant 0 : i32
      %cond3A_102 = arith.cmpi ne, %convert_element_type3A_100, %cond3A_101 : i32
      scf.if %cond3A_102 {
        %add3A_166 = arith.constant 2 : i32
        %add3A_167 = arith.addi %mul3A_59, %add3A_166 : i32
        %mul3A_168 = arith.constant 32 : i32
        %mul3A_169 = arith.muli %add3A_167, %mul3A_168 : i32
        %add3A_170 = arith.addi %mul3A_169, %add3A : i32
        %mul3A_171 = arith.constant 128 : i32
        %mul3A_172 = arith.muli %add3A_170, %mul3A_171 : i32
        %dma_start3A_173 = tpu.memref_slice %arg3[%mul3A_172] : memref<320000xi32, #tpu.memory_space<hbm>> -> memref<128xi32, #tpu.memory_space<hbm>>
        %dma_start3A_174 = tpu.memref_slice %arg3[%mul3A_172] : memref<320000xi32, #tpu.memory_space<hbm>> -> memref<128xi32, #tpu.memory_space<hbm>>
        tpu.enqueue_dma source(%dma_start3A_174 : memref<128xi32, #tpu.memory_space<hbm>>) target(%arg7 : memref<128xi32, #tpu.memory_space<vmem>>) target_semaphore(%arg20 : memref<!tpu.dma_semaphore, #tpu.memory_space<semaphore_mem>>)
        %dma_start3A_175 = tpu.memref_slice %arg4[%mul3A_172] : memref<320000xi32, #tpu.memory_space<hbm>> -> memref<128xi32, #tpu.memory_space<hbm>>
        %dma_start3A_176 = tpu.memref_slice %arg4[%mul3A_172] : memref<320000xi32, #tpu.memory_space<hbm>> -> memref<128xi32, #tpu.memory_space<hbm>>
        tpu.enqueue_dma source(%dma_start3A_176 : memref<128xi32, #tpu.memory_space<hbm>>) target(%arg9 : memref<128xi32, #tpu.memory_space<vmem>>) target_semaphore(%arg20 : memref<!tpu.dma_semaphore, #tpu.memory_space<semaphore_mem>>)
      } else {
      }
      %add3A_103 = arith.constant 1 : i32
      %add3A_104 = arith.addi %mul3A_59, %add3A_103 : i32
      %lt3A_105 = arith.constant 78 : i32
      %lt3A_106 = arith.cmpi slt, %add3A_104, %lt3A_105 : i32
      %convert_element_type3A_107 = arith.extui %lt3A_106 : i1 to i32
      %cond3A_108 = arith.constant 0 : i32
      %cond3A_109 = arith.cmpi ne, %convert_element_type3A_107, %cond3A_108 : i32
      scf.if %cond3A_109 {
        %ge3A = arith.constant 2 : i32
        %ge3A_166 = arith.cmpi sge, %add3A_104, %ge3A : i32
        %convert_element_type3A_167 = arith.extui %ge3A_166 : i1 to i32
        %cond3A_168 = arith.constant 0 : i32
        %cond3A_169 = arith.cmpi ne, %convert_element_type3A_167, %cond3A_168 : i32
        scf.if %cond3A_169 {
          %dma_wait3A_182 = arith.constant 0 : i32
          %dma_wait3A_183 = arith.constant 0 : i32
          %dma_wait3A_184 = tpu.memref_slice %arg15[%dma_wait3A_182, %dma_wait3A_183] : memref<10000x128xf32, #tpu.memory_space<vmem_shared>> -> memref<10000x128xf32, #tpu.memory_space<vmem_shared>>
          tpu.wait_indirect_dma semaphore(%arg19 : memref<!tpu.dma_semaphore, #tpu.memory_space<semaphore_mem>>) src(%arg14 : memref<128x128xf32, #tpu.memory_space<vmem>>) dst(%dma_wait3A_184 : memref<10000x128xf32, #tpu.memory_space<vmem_shared>>)
        } else {
        }
        %mul3A_170 = arith.constant 32 : i32
        %mul3A_171 = arith.muli %add3A_104, %mul3A_170 : i32
        %add3A_172 = arith.addi %mul3A_171, %add3A : i32
        %mul3A_173 = arith.constant 128 : i32
        %mul3A_174 = arith.muli %add3A_172, %mul3A_173 : i32
        %dma_wait3A_175 = tpu.memref_slice %arg3[%mul3A_174] : memref<320000xi32, #tpu.memory_space<hbm>> -> memref<128xi32, #tpu.memory_space<hbm>>
        %dma_wait3A_176 = tpu.memref_slice %arg3[%mul3A_174] : memref<320000xi32, #tpu.memory_space<hbm>> -> memref<128xi32, #tpu.memory_space<hbm>>
        tpu.wait_dma2 semaphore(%arg21 : memref<!tpu.dma_semaphore, #tpu.memory_space<semaphore_mem>>) src(%dma_wait3A_176 : memref<128xi32, #tpu.memory_space<hbm>>) dst(%arg8 : memref<128xi32, #tpu.memory_space<vmem>>)
        %dma_wait3A_177 = tpu.memref_slice %arg4[%mul3A_174] : memref<320000xi32, #tpu.memory_space<hbm>> -> memref<128xi32, #tpu.memory_space<hbm>>
        %dma_wait3A_178 = tpu.memref_slice %arg4[%mul3A_174] : memref<320000xi32, #tpu.memory_space<hbm>> -> memref<128xi32, #tpu.memory_space<hbm>>
        tpu.wait_dma2 semaphore(%arg21 : memref<!tpu.dma_semaphore, #tpu.memory_space<semaphore_mem>>) src(%dma_wait3A_178 : memref<128xi32, #tpu.memory_space<hbm>>) dst(%arg10 : memref<128xi32, #tpu.memory_space<vmem>>)
        %dma_start3A_179 = arith.constant 0 : i32
        %dma_start3A_180 = arith.constant 0 : i32
        %dma_start3A_181 = tpu.memref_slice %arg2[%dma_start3A_179, %dma_start3A_180] : memref<10000x128xf32, #tpu.memory_space<hbm>> -> memref<10000x128xf32, #tpu.memory_space<hbm>>
        tpu.enqueue_indirect_dma source(%dma_start3A_181 : memref<10000x128xf32, #tpu.memory_space<hbm>>) target(%arg14 : memref<128x128xf32, #tpu.memory_space<vmem>>) offsets(%arg8 : memref<128xi32, #tpu.memory_space<vmem>>) semaphore(%arg17 : memref<!tpu.dma_semaphore, #tpu.memory_space<semaphore_mem>>)
      } else {
      }
      %mul3A_110 = arith.constant 2 : i32
      %mul3A_111 = arith.muli %mul3A_110, %add3A_57 : i32
      %add3A_112 = arith.constant 1 : i32
      %add3A_113 = arith.addi %mul3A_111, %add3A_112 : i32
      %dma_wait3A_114 = arith.constant 0 : i32
      %dma_wait3A_115 = arith.constant 0 : i32
      %dma_wait3A_116 = tpu.memref_slice %arg2[%dma_wait3A_114, %dma_wait3A_115] : memref<10000x128xf32, #tpu.memory_space<hbm>> -> memref<10000x128xf32, #tpu.memory_space<hbm>>
      tpu.wait_indirect_dma semaphore(%arg17 : memref<!tpu.dma_semaphore, #tpu.memory_space<semaphore_mem>>) src(%dma_wait3A_116 : memref<10000x128xf32, #tpu.memory_space<hbm>>) dst(%arg14 : memref<128x128xf32, #tpu.memory_space<vmem>>)
      %get3A_117 = arith.constant 0 : index
      %get3A_118 = tpu.vector_load %arg10[%get3A_117] {strides = array<i32>} : memref<128xi32, #tpu.memory_space<vmem>>, vector<16xi32>,
      %swap3A_119 = arith.constant 0 : index
      %swap3A_120 = tpu.vector_load %arg12[%swap3A_119] {strides = array<i32>} : memref<128xi32, #tpu.memory_space<vmem>>, vector<16xi32>,
      tpu.vector_store %arg12[%swap3A_119], %get3A_118 {strides = array<i32>} : memref<128xi32, #tpu.memory_space<vmem>>, vector<16xi32>,
      %get3A_121 = arith.constant 16 : index
      %get3A_122 = tpu.vector_load %arg10[%get3A_121] {strides = array<i32>} : memref<128xi32, #tpu.memory_space<vmem>>, vector<16xi32>,
      %swap3A_123 = arith.constant 16 : index
      %swap3A_124 = tpu.vector_load %arg12[%swap3A_123] {strides = array<i32>} : memref<128xi32, #tpu.memory_space<vmem>>, vector<16xi32>,
      tpu.vector_store %arg12[%swap3A_123], %get3A_122 {strides = array<i32>} : memref<128xi32, #tpu.memory_space<vmem>>, vector<16xi32>,
      %get3A_125 = arith.constant 32 : index
      %get3A_126 = tpu.vector_load %arg10[%get3A_125] {strides = array<i32>} : memref<128xi32, #tpu.memory_space<vmem>>, vector<16xi32>,
      %swap3A_127 = arith.constant 32 : index
      %swap3A_128 = tpu.vector_load %arg12[%swap3A_127] {strides = array<i32>} : memref<128xi32, #tpu.memory_space<vmem>>, vector<16xi32>,
      tpu.vector_store %arg12[%swap3A_127], %get3A_126 {strides = array<i32>} : memref<128xi32, #tpu.memory_space<vmem>>, vector<16xi32>,
      %get3A_129 = arith.constant 48 : index
      %get3A_130 = tpu.vector_load %arg10[%get3A_129] {strides = array<i32>} : memref<128xi32, #tpu.memory_space<vmem>>, vector<16xi32>,
      %swap3A_131 = arith.constant 48 : index
      %swap3A_132 = tpu.vector_load %arg12[%swap3A_131] {strides = array<i32>} : memref<128xi32, #tpu.memory_space<vmem>>, vector<16xi32>,
      tpu.vector_store %arg12[%swap3A_131], %get3A_130 {strides = array<i32>} : memref<128xi32, #tpu.memory_space<vmem>>, vector<16xi32>,
      %get3A_133 = arith.constant 64 : index
      %get3A_134 = tpu.vector_load %arg10[%get3A_133] {strides = array<i32>} : memref<128xi32, #tpu.memory_space<vmem>>, vector<16xi32>,
      %swap3A_135 = arith.constant 64 : index
      %swap3A_136 = tpu.vector_load %arg12[%swap3A_135] {strides = array<i32>} : memref<128xi32, #tpu.memory_space<vmem>>, vector<16xi32>,
      tpu.vector_store %arg12[%swap3A_135], %get3A_134 {strides = array<i32>} : memref<128xi32, #tpu.memory_space<vmem>>, vector<16xi32>,
      %get3A_137 = arith.constant 80 : index
      %get3A_138 = tpu.vector_load %arg10[%get3A_137] {strides = array<i32>} : memref<128xi32, #tpu.memory_space<vmem>>, vector<16xi32>,
      %swap3A_139 = arith.constant 80 : index
      %swap3A_140 = tpu.vector_load %arg12[%swap3A_139] {strides = array<i32>} : memref<128xi32, #tpu.memory_space<vmem>>, vector<16xi32>,
      tpu.vector_store %arg12[%swap3A_139], %get3A_138 {strides = array<i32>} : memref<128xi32, #tpu.memory_space<vmem>>, vector<16xi32>,
      %get3A_141 = arith.constant 96 : index
      %get3A_142 = tpu.vector_load %arg10[%get3A_141] {strides = array<i32>} : memref<128xi32, #tpu.memory_space<vmem>>, vector<16xi32>,
      %swap3A_143 = arith.constant 96 : index
      %swap3A_144 = tpu.vector_load %arg12[%swap3A_143] {strides = array<i32>} : memref<128xi32, #tpu.memory_space<vmem>>, vector<16xi32>,
      tpu.vector_store %arg12[%swap3A_143], %get3A_142 {strides = array<i32>} : memref<128xi32, #tpu.memory_space<vmem>>, vector<16xi32>,
      %get3A_145 = arith.constant 112 : index
      %get3A_146 = tpu.vector_load %arg10[%get3A_145] {strides = array<i32>} : memref<128xi32, #tpu.memory_space<vmem>>, vector<16xi32>,
      %swap3A_147 = arith.constant 112 : index
      %swap3A_148 = tpu.vector_load %arg12[%swap3A_147] {strides = array<i32>} : memref<128xi32, #tpu.memory_space<vmem>>, vector<16xi32>,
      tpu.vector_store %arg12[%swap3A_147], %get3A_146 {strides = array<i32>} : memref<128xi32, #tpu.memory_space<vmem>>, vector<16xi32>,
      %dma_start3A_149 = arith.constant 0 : i32
      %dma_start3A_150 = arith.constant 0 : i32
      %dma_start3A_151 = tpu.memref_slice %arg15[%dma_start3A_149, %dma_start3A_150] : memref<10000x128xf32, #tpu.memory_space<vmem_shared>> -> memref<10000x128xf32, #tpu.memory_space<vmem_shared>>
      tpu.enqueue_indirect_dma source(%arg14 : memref<128x128xf32, #tpu.memory_space<vmem>>) target(%dma_start3A_151 : memref<10000x128xf32, #tpu.memory_space<vmem_shared>>) offsets(%arg12 : memref<128xi32, #tpu.memory_space<vmem>>) semaphore(%arg19 : memref<!tpu.dma_semaphore, #tpu.memory_space<semaphore_mem>>) {add = true}
      %add3A_152 = arith.constant 2 : i32
      %add3A_153 = arith.addi %add3A_113, %add3A_152 : i32
      %lt3A_154 = arith.constant 78 : i32
      %lt3A_155 = arith.cmpi slt, %add3A_153, %lt3A_154 : i32
      %convert_element_type3A_156 = arith.extui %lt3A_155 : i1 to i32
      %cond3A_157 = arith.constant 0 : i32
      %cond3A_158 = arith.cmpi ne, %convert_element_type3A_156, %cond3A_157 : i32
      scf.if %cond3A_158 {
        %add3A_166 = arith.constant 2 : i32
        %add3A_167 = arith.addi %add3A_113, %add3A_166 : i32
        %mul3A_168 = arith.constant 32 : i32
        %mul3A_169 = arith.muli %add3A_167, %mul3A_168 : i32
        %add3A_170 = arith.addi %mul3A_169, %add3A : i32
        %mul3A_171 = arith.constant 128 : i32
        %mul3A_172 = arith.muli %add3A_170, %mul3A_171 : i32
        %dma_start3A_173 = tpu.memref_slice %arg3[%mul3A_172] : memref<320000xi32, #tpu.memory_space<hbm>> -> memref<128xi32, #tpu.memory_space<hbm>>
        %dma_start3A_174 = tpu.memref_slice %arg3[%mul3A_172] : memref<320000xi32, #tpu.memory_space<hbm>> -> memref<128xi32, #tpu.memory_space<hbm>>
        tpu.enqueue_dma source(%dma_start3A_174 : memref<128xi32, #tpu.memory_space<hbm>>) target(%arg8 : memref<128xi32, #tpu.memory_space<vmem>>) target_semaphore(%arg21 : memref<!tpu.dma_semaphore, #tpu.memory_space<semaphore_mem>>)
        %dma_start3A_175 = tpu.memref_slice %arg4[%mul3A_172] : memref<320000xi32, #tpu.memory_space<hbm>> -> memref<128xi32, #tpu.memory_space<hbm>>
        %dma_start3A_176 = tpu.memref_slice %arg4[%mul3A_172] : memref<320000xi32, #tpu.memory_space<hbm>> -> memref<128xi32, #tpu.memory_space<hbm>>
        tpu.enqueue_dma source(%dma_start3A_176 : memref<128xi32, #tpu.memory_space<hbm>>) target(%arg10 : memref<128xi32, #tpu.memory_space<vmem>>) target_semaphore(%arg21 : memref<!tpu.dma_semaphore, #tpu.memory_space<semaphore_mem>>)
      } else {
      }
      %add3A_159 = arith.constant 1 : i32
      %add3A_160 = arith.addi %add3A_113, %add3A_159 : i32
      %lt3A_161 = arith.constant 78 : i32
      %lt3A_162 = arith.cmpi slt, %add3A_160, %lt3A_161 : i32
      %convert_element_type3A_163 = arith.extui %lt3A_162 : i1 to i32
      %cond3A_164 = arith.constant 0 : i32
      %cond3A_165 = arith.cmpi ne, %convert_element_type3A_163, %cond3A_164 : i32
      scf.if %cond3A_165 {
        %ge3A = arith.constant 2 : i32
        %ge3A_166 = arith.cmpi sge, %add3A_160, %ge3A : i32
        %convert_element_type3A_167 = arith.extui %ge3A_166 : i1 to i32
        %cond3A_168 = arith.constant 0 : i32
        %cond3A_169 = arith.cmpi ne, %convert_element_type3A_167, %cond3A_168 : i32
        scf.if %cond3A_169 {
          %dma_wait3A_182 = arith.constant 0 : i32
          %dma_wait3A_183 = arith.constant 0 : i32
          %dma_wait3A_184 = tpu.memref_slice %arg15[%dma_wait3A_182, %dma_wait3A_183] : memref<10000x128xf32, #tpu.memory_space<vmem_shared>> -> memref<10000x128xf32, #tpu.memory_space<vmem_shared>>
          tpu.wait_indirect_dma semaphore(%arg18 : memref<!tpu.dma_semaphore, #tpu.memory_space<semaphore_mem>>) src(%arg13 : memref<128x128xf32, #tpu.memory_space<vmem>>) dst(%dma_wait3A_184 : memref<10000x128xf32, #tpu.memory_space<vmem_shared>>)
        } else {
        }
        %mul3A_170 = arith.constant 32 : i32
        %mul3A_171 = arith.muli %add3A_160, %mul3A_170 : i32
        %add3A_172 = arith.addi %mul3A_171, %add3A : i32
        %mul3A_173 = arith.constant 128 : i32
        %mul3A_174 = arith.muli %add3A_172, %mul3A_173 : i32
        %dma_wait3A_175 = tpu.memref_slice %arg3[%mul3A_174] : memref<320000xi32, #tpu.memory_space<hbm>> -> memref<128xi32, #tpu.memory_space<hbm>>
        %dma_wait3A_176 = tpu.memref_slice %arg3[%mul3A_174] : memref<320000xi32, #tpu.memory_space<hbm>> -> memref<128xi32, #tpu.memory_space<hbm>>
        tpu.wait_dma2 semaphore(%arg20 : memref<!tpu.dma_semaphore, #tpu.memory_space<semaphore_mem>>) src(%dma_wait3A_176 : memref<128xi32, #tpu.memory_space<hbm>>) dst(%arg7 : memref<128xi32, #tpu.memory_space<vmem>>)
        %dma_wait3A_177 = tpu.memref_slice %arg4[%mul3A_174] : memref<320000xi32, #tpu.memory_space<hbm>> -> memref<128xi32, #tpu.memory_space<hbm>>
        %dma_wait3A_178 = tpu.memref_slice %arg4[%mul3A_174] : memref<320000xi32, #tpu.memory_space<hbm>> -> memref<128xi32, #tpu.memory_space<hbm>>
        tpu.wait_dma2 semaphore(%arg20 : memref<!tpu.dma_semaphore, #tpu.memory_space<semaphore_mem>>) src(%dma_wait3A_178 : memref<128xi32, #tpu.memory_space<hbm>>) dst(%arg9 : memref<128xi32, #tpu.memory_space<vmem>>)
        %dma_start3A_179 = arith.constant 0 : i32
        %dma_start3A_180 = arith.constant 0 : i32
        %dma_start3A_181 = tpu.memref_slice %arg2[%dma_start3A_179, %dma_start3A_180] : memref<10000x128xf32, #tpu.memory_space<hbm>> -> memref<10000x128xf32, #tpu.memory_space<hbm>>
        tpu.enqueue_indirect_dma source(%dma_start3A_181 : memref<10000x128xf32, #tpu.memory_space<hbm>>) target(%arg13 : memref<128x128xf32, #tpu.memory_space<vmem>>) offsets(%arg7 : memref<128xi32, #tpu.memory_space<vmem>>) semaphore(%arg16 : memref<!tpu.dma_semaphore, #tpu.memory_space<semaphore_mem>>)
      } else {
      }
    }
    %scan3A_34 = arith.constant 39 : i32
    %dma_wait3A_35 = arith.constant 0 : i32
    %dma_wait3A_36 = arith.constant 0 : i32
    %dma_wait3A_37 = tpu.memref_slice %arg15[%dma_wait3A_35, %dma_wait3A_36] : memref<10000x128xf32, #tpu.memory_space<vmem_shared>> -> memref<10000x128xf32, #tpu.memory_space<vmem_shared>>
    tpu.wait_indirect_dma semaphore(%arg18 : memref<!tpu.dma_semaphore, #tpu.memory_space<semaphore_mem>>) src(%arg13 : memref<128x128xf32, #tpu.memory_space<vmem>>) dst(%dma_wait3A_37 : memref<10000x128xf32, #tpu.memory_space<vmem_shared>>)
    %dma_wait3A_38 = arith.constant 0 : i32
    %dma_wait3A_39 = arith.constant 0 : i32
    %dma_wait3A_40 = tpu.memref_slice %arg15[%dma_wait3A_38, %dma_wait3A_39] : memref<10000x128xf32, #tpu.memory_space<vmem_shared>> -> memref<10000x128xf32, #tpu.memory_space<vmem_shared>>
    tpu.wait_indirect_dma semaphore(%arg19 : memref<!tpu.dma_semaphore, #tpu.memory_space<semaphore_mem>>) src(%arg14 : memref<128x128xf32, #tpu.memory_space<vmem>>) dst(%dma_wait3A_40 : memref<10000x128xf32, #tpu.memory_space<vmem_shared>>)
    %lt3A = arith.constant 4 : i32
    %lt3A_41 = arith.cmpi slt, %add3A, %lt3A : i32
    %convert_element_type3A_42 = arith.extui %lt3A_41 : i1 to i32
    %cond3A_43 = arith.constant 0 : i32
    %cond3A_44 = arith.cmpi ne, %convert_element_type3A_42, %cond3A_43 : i32
    scf.if %cond3A_44 {
      %add3A_53 = arith.constant 2496 : i32
      %add3A_54 = arith.addi %add3A_53, %add3A : i32
      %mul3A_55 = arith.constant 128 : i32
      %mul3A_56 = arith.muli %add3A_54, %mul3A_55 : i32
      "tpu.region"() ({
        %run_scoped3A = tpu.sem_alloc : memref<!tpu.dma_semaphore, #tpu.memory_space<semaphore_mem>>
        %dma_start3A_63 = tpu.memref_slice %arg3[%mul3A_56] : memref<320000xi32, #tpu.memory_space<hbm>> -> memref<128xi32, #tpu.memory_space<hbm>>
        %dma_start3A_64 = tpu.memref_slice %arg3[%mul3A_56] : memref<320000xi32, #tpu.memory_space<hbm>> -> memref<128xi32, #tpu.memory_space<hbm>>
        tpu.enqueue_dma source(%dma_start3A_64 : memref<128xi32, #tpu.memory_space<hbm>>) target(%arg7 : memref<128xi32, #tpu.memory_space<vmem>>) target_semaphore(%run_scoped3A : memref<!tpu.dma_semaphore, #tpu.memory_space<semaphore_mem>>)
        %dma_wait3A_65 = tpu.memref_slice %arg3[%mul3A_56] : memref<320000xi32, #tpu.memory_space<hbm>> -> memref<128xi32, #tpu.memory_space<hbm>>
        %dma_wait3A_66 = tpu.memref_slice %arg3[%mul3A_56] : memref<320000xi32, #tpu.memory_space<hbm>> -> memref<128xi32, #tpu.memory_space<hbm>>
        tpu.wait_dma2 semaphore(%run_scoped3A : memref<!tpu.dma_semaphore, #tpu.memory_space<semaphore_mem>>) src(%dma_wait3A_66 : memref<128xi32, #tpu.memory_space<hbm>>) dst(%arg7 : memref<128xi32, #tpu.memory_space<vmem>>)
        tpu.yield
      }) : () -> ()
      "tpu.region"() ({
        %run_scoped3A = tpu.sem_alloc : memref<!tpu.dma_semaphore, #tpu.memory_space<semaphore_mem>>
        %dma_start3A_63 = tpu.memref_slice %arg4[%mul3A_56] : memref<320000xi32, #tpu.memory_space<hbm>> -> memref<128xi32, #tpu.memory_space<hbm>>
        %dma_start3A_64 = tpu.memref_slice %arg4[%mul3A_56] : memref<320000xi32, #tpu.memory_space<hbm>> -> memref<128xi32, #tpu.memory_space<hbm>>
        tpu.enqueue_dma source(%dma_start3A_64 : memref<128xi32, #tpu.memory_space<hbm>>) target(%arg11 : memref<128xi32, #tpu.memory_space<vmem>>) target_semaphore(%run_scoped3A : memref<!tpu.dma_semaphore, #tpu.memory_space<semaphore_mem>>)
        %dma_wait3A_65 = tpu.memref_slice %arg4[%mul3A_56] : memref<320000xi32, #tpu.memory_space<hbm>> -> memref<128xi32, #tpu.memory_space<hbm>>
        %dma_wait3A_66 = tpu.memref_slice %arg4[%mul3A_56] : memref<320000xi32, #tpu.memory_space<hbm>> -> memref<128xi32, #tpu.memory_space<hbm>>
        tpu.wait_dma2 semaphore(%run_scoped3A : memref<!tpu.dma_semaphore, #tpu.memory_space<semaphore_mem>>) src(%dma_wait3A_66 : memref<128xi32, #tpu.memory_space<hbm>>) dst(%arg11 : memref<128xi32, #tpu.memory_space<vmem>>)
        tpu.yield
      }) : () -> ()
      %dma_start3A_57 = arith.constant 0 : i32
      %dma_start3A_58 = arith.constant 0 : i32
      %dma_start3A_59 = tpu.memref_slice %arg2[%dma_start3A_57, %dma_start3A_58] : memref<10000x128xf32, #tpu.memory_space<hbm>> -> memref<10000x128xf32, #tpu.memory_space<hbm>>
      tpu.enqueue_indirect_dma source(%dma_start3A_59 : memref<10000x128xf32, #tpu.memory_space<hbm>>) target(%arg13 : memref<128x128xf32, #tpu.memory_space<vmem>>) offsets(%arg7 : memref<128xi32, #tpu.memory_space<vmem>>) semaphore(%arg16 : memref<!tpu.dma_semaphore, #tpu.memory_space<semaphore_mem>>)
      %dma_wait3A_60 = arith.constant 0 : i32
      %dma_wait3A_61 = arith.constant 0 : i32
      %dma_wait3A_62 = tpu.memref_slice %arg2[%dma_wait3A_60, %dma_wait3A_61] : memref<10000x128xf32, #tpu.memory_space<hbm>> -> memref<10000x128xf32, #tpu.memory_space<hbm>>
      tpu.wait_indirect_dma semaphore(%arg16 : memref<!tpu.dma_semaphore, #tpu.memory_space<semaphore_mem>>) src(%dma_wait3A_62 : memref<10000x128xf32, #tpu.memory_space<hbm>>) dst(%arg13 : memref<128x128xf32, #tpu.memory_space<vmem>>)
      "tpu.region"() ({
        %run_scoped3A = tpu.sem_alloc : memref<!tpu.dma_semaphore, #tpu.memory_space<semaphore_mem>>
        %dma_start3A_63 = arith.constant 0 : i32
        %dma_start3A_64 = arith.constant 0 : i32
        %dma_start3A_65 = tpu.memref_slice %arg15[%dma_start3A_63, %dma_start3A_64] : memref<10000x128xf32, #tpu.memory_space<vmem_shared>> -> memref<10000x128xf32, #tpu.memory_space<vmem_shared>>
        tpu.enqueue_indirect_dma source(%arg13 : memref<128x128xf32, #tpu.memory_space<vmem>>) target(%dma_start3A_65 : memref<10000x128xf32, #tpu.memory_space<vmem_shared>>) offsets(%arg11 : memref<128xi32, #tpu.memory_space<vmem>>) semaphore(%run_scoped3A : memref<!tpu.dma_semaphore, #tpu.memory_space<semaphore_mem>>) {add = true}
        %dma_wait3A_66 = arith.constant 0 : i32
        %dma_wait3A_67 = arith.constant 0 : i32
        %dma_wait3A_68 = tpu.memref_slice %arg15[%dma_wait3A_66, %dma_wait3A_67] : memref<10000x128xf32, #tpu.memory_space<vmem_shared>> -> memref<10000x128xf32, #tpu.memory_space<vmem_shared>>
        tpu.wait_indirect_dma semaphore(%run_scoped3A : memref<!tpu.dma_semaphore, #tpu.memory_space<semaphore_mem>>) src(%arg13 : memref<128x128xf32, #tpu.memory_space<vmem>>) dst(%dma_wait3A_68 : memref<10000x128xf32, #tpu.memory_space<vmem_shared>>)
        tpu.yield
      }) : () -> ()
    } else {
    }
    %barrier3A_45 = arith.constant 0 : index
    tpu.barrier barrier_id(%barrier3A_45)
    %mul3A_46 = arith.constant 624 : i32
    %mul3A_47 = arith.muli %arg1, %mul3A_46 : i32
    "tpu.region"() ({
      %run_scoped3A = tpu.sem_alloc : memref<!tpu.dma_semaphore, #tpu.memory_space<semaphore_mem>>
      %dma_start3A_53 = arith.constant 0 : i32
      %dma_start3A_54 = tpu.memref_slice %arg6[%arg0, %mul3A_47, %dma_start3A_53] : memref<2x10000x128xf32, #tpu.memory_space<hbm>> -> memref<1x624x128xf32, #tpu.memory_space<hbm>>
      %dma_start3A_55 = tpu.memref_squeeze %dma_start3A_54 : memref<1x624x128xf32, #tpu.memory_space<hbm>> -> memref<624x128xf32, #tpu.memory_space<hbm>>
      %dma_start3A_56 = arith.constant 0 : i32
      %dma_start3A_57 = tpu.memref_slice %arg15[%mul3A_47, %dma_start3A_56] : memref<10000x128xf32, #tpu.memory_space<vmem_shared>> -> memref<624x128xf32, #tpu.memory_space<vmem_shared>>
      tpu.enqueue_dma source(%dma_start3A_57 : memref<624x128xf32, #tpu.memory_space<vmem_shared>>) target(%dma_start3A_55 : memref<624x128xf32, #tpu.memory_space<hbm>>) target_semaphore(%run_scoped3A : memref<!tpu.dma_semaphore, #tpu.memory_space<semaphore_mem>>)
      %dma_wait3A_58 = arith.constant 0 : i32
      %dma_wait3A_59 = tpu.memref_slice %arg6[%arg0, %mul3A_47, %dma_wait3A_58] : memref<2x10000x128xf32, #tpu.memory_space<hbm>> -> memref<1x624x128xf32, #tpu.memory_space<hbm>>
      %dma_wait3A_60 = tpu.memref_squeeze %dma_wait3A_59 : memref<1x624x128xf32, #tpu.memory_space<hbm>> -> memref<624x128xf32, #tpu.memory_space<hbm>>
      %dma_wait3A_61 = arith.constant 0 : i32
      %dma_wait3A_62 = tpu.memref_slice %arg15[%mul3A_47, %dma_wait3A_61] : memref<10000x128xf32, #tpu.memory_space<vmem_shared>> -> memref<624x128xf32, #tpu.memory_space<vmem_shared>>
      tpu.wait_dma2 semaphore(%run_scoped3A : memref<!tpu.dma_semaphore, #tpu.memory_space<semaphore_mem>>) src(%dma_wait3A_62 : memref<624x128xf32, #tpu.memory_space<vmem_shared>>) dst(%dma_wait3A_60 : memref<624x128xf32, #tpu.memory_space<hbm>>)
      tpu.yield
    }) : () -> ()
    %eq3A_48 = arith.constant 0 : i32
    %eq3A_49 = arith.cmpi eq, %arg1, %eq3A_48 : i32
    %convert_element_type3A_50 = arith.extui %eq3A_49 : i1 to i32
    %cond3A_51 = arith.constant 0 : i32
    %cond3A_52 = arith.cmpi ne, %convert_element_type3A_50, %cond3A_51 : i32
    scf.if %cond3A_52 {
      "tpu.region"() ({
        %run_scoped3A = tpu.sem_alloc : memref<!tpu.dma_semaphore, #tpu.memory_space<semaphore_mem>>
        %dma_start3A_53 = arith.constant 9984 : i32
        %dma_start3A_54 = arith.constant 0 : i32
        %dma_start3A_55 = tpu.memref_slice %arg6[%arg0, %dma_start3A_53, %dma_start3A_54] : memref<2x10000x128xf32, #tpu.memory_space<hbm>> -> memref<1x16x128xf32, #tpu.memory_space<hbm>>
        %dma_start3A_56 = tpu.memref_squeeze %dma_start3A_55 : memref<1x16x128xf32, #tpu.memory_space<hbm>> -> memref<16x128xf32, #tpu.memory_space<hbm>>
        %dma_start3A_57 = arith.constant 9984 : i32
        %dma_start3A_58 = arith.constant 0 : i32
        %dma_start3A_59 = tpu.memref_slice %arg15[%dma_start3A_57, %dma_start3A_58] : memref<10000x128xf32, #tpu.memory_space<vmem_shared>> -> memref<16x128xf32, #tpu.memory_space<vmem_shared>>
        tpu.enqueue_dma source(%dma_start3A_59 : memref<16x128xf32, #tpu.memory_space<vmem_shared>>) target(%dma_start3A_56 : memref<16x128xf32, #tpu.memory_space<hbm>>) target_semaphore(%run_scoped3A : memref<!tpu.dma_semaphore, #tpu.memory_space<semaphore_mem>>)
        %dma_wait3A_60 = arith.constant 9984 : i32
        %dma_wait3A_61 = arith.constant 0 : i32
        %dma_wait3A_62 = tpu.memref_slice %arg6[%arg0, %dma_wait3A_60, %dma_wait3A_61] : memref<2x10000x128xf32, #tpu.memory_space<hbm>> -> memref<1x16x128xf32, #tpu.memory_space<hbm>>
        %dma_wait3A_63 = tpu.memref_squeeze %dma_wait3A_62 : memref<1x16x128xf32, #tpu.memory_space<hbm>> -> memref<16x128xf32, #tpu.memory_space<hbm>>
        %dma_wait3A_64 = arith.constant 9984 : i32
        %dma_wait3A_65 = arith.constant 0 : i32
        %dma_wait3A_66 = tpu.memref_slice %arg15[%dma_wait3A_64, %dma_wait3A_65] : memref<10000x128xf32, #tpu.memory_space<vmem_shared>> -> memref<16x128xf32, #tpu.memory_space<vmem_shared>>
        tpu.wait_dma2 semaphore(%run_scoped3A : memref<!tpu.dma_semaphore, #tpu.memory_space<semaphore_mem>>) src(%dma_wait3A_66 : memref<16x128xf32, #tpu.memory_space<vmem_shared>>) dst(%dma_wait3A_63 : memref<16x128xf32, #tpu.memory_space<hbm>>)
        tpu.yield
      }) : () -> ()
    } else {
    }
    return
  }
}

#map = affine_map<(d0, d1) -> (0, 0)>
#map1 = affine_map<(d0, d1) -> (0)>
#map2 = affine_map<(d0, d1) -> (0, 0, 0)>
module attributes {stable_mosaic.version = 14 : i64} {
  func.func @k(%arg0: i32, %arg1: i32, %arg2: memref<10000x128xf32, #tpu.memory_space<hbm>>, %arg3: memref<320000xi32, #tpu.memory_space<hbm>>, %arg4: memref<320000xi32, #tpu.memory_space<hbm>>, %arg5: memref<10000x128xf32, #tpu.memory_space<hbm>>, %arg6: memref<2x10000x128xf32, #tpu.memory_space<hbm>>, %arg7: memref<2x16x10000xf32, #tpu.memory_space<hbm>>, %arg8: memref<10000xf32, #tpu.memory_space<vmem>>, %arg9: memref<128xi32, #tpu.memory_space<vmem>>, %arg10: memref<128xi32, #tpu.memory_space<vmem>>, %arg11: memref<128xi32, #tpu.memory_space<vmem>>, %arg12: memref<128xi32, #tpu.memory_space<vmem>>, %arg13: memref<128xi32, #tpu.memory_space<vmem>>, %arg14: memref<128xi32, #tpu.memory_space<vmem>>, %arg15: memref<128x128xf32, #tpu.memory_space<vmem>>, %arg16: memref<128x128xf32, #tpu.memory_space<vmem>>, %arg17: memref<10000x128xf32, #tpu.memory_space<vmem_shared>>, %arg18: memref<!tpu.dma_semaphore, #tpu.memory_space<semaphore_mem>>, %arg19: memref<!tpu.dma_semaphore, #tpu.memory_space<semaphore_mem>>, %arg20: memref<!tpu.dma_semaphore, #tpu.memory_space<semaphore_mem>>, %arg21: memref<!tpu.dma_semaphore, #tpu.memory_space<semaphore_mem>>, %arg22: memref<!tpu.dma_semaphore, #tpu.memory_space<semaphore_mem>>, %arg23: memref<!tpu.dma_semaphore, #tpu.memory_space<semaphore_mem>>) attributes {dimension_semantics = [#tpu.dimension_semantics<core_parallel>, #tpu.dimension_semantics<subcore_parallel>], iteration_bounds = array<i64: 2, 16>, scalar_prefetch = 0 : i64, scratch_operands = 16 : i64, tpu.core_type = #tpu.core_type<sc_vector_subcore>, window_params = [{transform_indices = #map}, {transform_indices = #map1}, {transform_indices = #map1}, {transform_indices = #map}, {transform_indices = #map2}, {transform_indices = #map2}]} {
    %mul3A = arith.constant 2 : i32
    %mul3A_0 = arith.muli %arg1, %mul3A : i32
    %add3A = arith.addi %mul3A_0, %arg0 : i32
    %broadcast_in_dim3A = arith.constant 1.000000e+00 : f32
    %broadcast_in_dim3A_1 = vector.broadcast %broadcast_in_dim3A : f32 to vector<16xf32>
    %add3A_2 = arith.constant 0 : i32
    %add3A_3 = arith.addi %add3A_2, %add3A : i32
    %mul3A_4 = arith.constant 128 : i32
    %mul3A_5 = arith.muli %add3A_3, %mul3A_4 : i32
    %dma_start3A = tpu.memref_slice %arg3[%mul3A_5] : memref<320000xi32, #tpu.memory_space<hbm>> -> memref<128xi32, #tpu.memory_space<hbm>>
    %dma_start3A_6 = tpu.memref_slice %arg3[%mul3A_5] : memref<320000xi32, #tpu.memory_space<hbm>> -> memref<128xi32, #tpu.memory_space<hbm>>
    tpu.enqueue_dma source(%dma_start3A_6 : memref<128xi32, #tpu.memory_space<hbm>>) target(%arg9 : memref<128xi32, #tpu.memory_space<vmem>>) target_semaphore(%arg22 : memref<!tpu.dma_semaphore, #tpu.memory_space<semaphore_mem>>)
    %dma_start3A_7 = tpu.memref_slice %arg4[%mul3A_5] : memref<320000xi32, #tpu.memory_space<hbm>> -> memref<128xi32, #tpu.memory_space<hbm>>
    %dma_start3A_8 = tpu.memref_slice %arg4[%mul3A_5] : memref<320000xi32, #tpu.memory_space<hbm>> -> memref<128xi32, #tpu.memory_space<hbm>>
    tpu.enqueue_dma source(%dma_start3A_8 : memref<128xi32, #tpu.memory_space<hbm>>) target(%arg11 : memref<128xi32, #tpu.memory_space<vmem>>) target_semaphore(%arg22 : memref<!tpu.dma_semaphore, #tpu.memory_space<semaphore_mem>>)
    %add3A_9 = arith.constant 32 : i32
    %add3A_10 = arith.addi %add3A_9, %add3A : i32
    %mul3A_11 = arith.constant 128 : i32
    %mul3A_12 = arith.muli %add3A_10, %mul3A_11 : i32
    %dma_start3A_13 = tpu.memref_slice %arg3[%mul3A_12] : memref<320000xi32, #tpu.memory_space<hbm>> -> memref<128xi32, #tpu.memory_space<hbm>>
    %dma_start3A_14 = tpu.memref_slice %arg3[%mul3A_12] : memref<320000xi32, #tpu.memory_space<hbm>> -> memref<128xi32, #tpu.memory_space<hbm>>
    tpu.enqueue_dma source(%dma_start3A_14 : memref<128xi32, #tpu.memory_space<hbm>>) target(%arg10 : memref<128xi32, #tpu.memory_space<vmem>>) target_semaphore(%arg23 : memref<!tpu.dma_semaphore, #tpu.memory_space<semaphore_mem>>)
    %dma_start3A_15 = tpu.memref_slice %arg4[%mul3A_12] : memref<320000xi32, #tpu.memory_space<hbm>> -> memref<128xi32, #tpu.memory_space<hbm>>
    %dma_start3A_16 = tpu.memref_slice %arg4[%mul3A_12] : memref<320000xi32, #tpu.memory_space<hbm>> -> memref<128xi32, #tpu.memory_space<hbm>>
    tpu.enqueue_dma source(%dma_start3A_16 : memref<128xi32, #tpu.memory_space<hbm>>) target(%arg12 : memref<128xi32, #tpu.memory_space<vmem>>) target_semaphore(%arg23 : memref<!tpu.dma_semaphore, #tpu.memory_space<semaphore_mem>>)
    %add3A_17 = arith.constant 0 : i32
    %add3A_18 = arith.addi %add3A_17, %add3A : i32
    %mul3A_19 = arith.constant 128 : i32
    %mul3A_20 = arith.muli %add3A_18, %mul3A_19 : i32
    %dma_wait3A = tpu.memref_slice %arg3[%mul3A_20] : memref<320000xi32, #tpu.memory_space<hbm>> -> memref<128xi32, #tpu.memory_space<hbm>>
    %dma_wait3A_21 = tpu.memref_slice %arg3[%mul3A_20] : memref<320000xi32, #tpu.memory_space<hbm>> -> memref<128xi32, #tpu.memory_space<hbm>>
    tpu.wait_dma2 semaphore(%arg22 : memref<!tpu.dma_semaphore, #tpu.memory_space<semaphore_mem>>) src(%dma_wait3A_21 : memref<128xi32, #tpu.memory_space<hbm>>) dst(%arg9 : memref<128xi32, #tpu.memory_space<vmem>>)
    %dma_wait3A_22 = tpu.memref_slice %arg4[%mul3A_20] : memref<320000xi32, #tpu.memory_space<hbm>> -> memref<128xi32, #tpu.memory_space<hbm>>
    %dma_wait3A_23 = tpu.memref_slice %arg4[%mul3A_20] : memref<320000xi32, #tpu.memory_space<hbm>> -> memref<128xi32, #tpu.memory_space<hbm>>
    tpu.wait_dma2 semaphore(%arg22 : memref<!tpu.dma_semaphore, #tpu.memory_space<semaphore_mem>>) src(%dma_wait3A_23 : memref<128xi32, #tpu.memory_space<hbm>>) dst(%arg11 : memref<128xi32, #tpu.memory_space<vmem>>)
    %dma_start3A_24 = arith.constant 0 : i32
    %dma_start3A_25 = arith.constant 0 : i32
    %dma_start3A_26 = tpu.memref_slice %arg2[%dma_start3A_24, %dma_start3A_25] : memref<10000x128xf32, #tpu.memory_space<hbm>> -> memref<10000x128xf32, #tpu.memory_space<hbm>>
    tpu.enqueue_indirect_dma source(%dma_start3A_26 : memref<10000x128xf32, #tpu.memory_space<hbm>>) target(%arg15 : memref<128x128xf32, #tpu.memory_space<vmem>>) offsets(%arg9 : memref<128xi32, #tpu.memory_space<vmem>>) semaphore(%arg18 : memref<!tpu.dma_semaphore, #tpu.memory_space<semaphore_mem>>)
    %mul3A_27 = arith.constant 624 : i32
    %mul3A_28 = arith.muli %arg1, %mul3A_27 : i32
    "tpu.region"() ({
      %run_scoped3A = tpu.sem_alloc : memref<!tpu.dma_semaphore, #tpu.memory_space<semaphore_mem>>
      %dma_start3A_58 = arith.constant 0 : i32
      %dma_start3A_59 = tpu.memref_slice %arg17[%mul3A_28, %dma_start3A_58] : memref<10000x128xf32, #tpu.memory_space<vmem_shared>> -> memref<624x128xf32, #tpu.memory_space<vmem_shared>>
      %dma_start3A_60 = arith.constant 0 : i32
      %dma_start3A_61 = tpu.memref_slice %arg5[%mul3A_28, %dma_start3A_60] : memref<10000x128xf32, #tpu.memory_space<hbm>> -> memref<624x128xf32, #tpu.memory_space<hbm>>
      tpu.enqueue_dma source(%dma_start3A_61 : memref<624x128xf32, #tpu.memory_space<hbm>>) target(%dma_start3A_59 : memref<624x128xf32, #tpu.memory_space<vmem_shared>>) target_semaphore(%run_scoped3A : memref<!tpu.dma_semaphore, #tpu.memory_space<semaphore_mem>>)
      %dma_wait3A_62 = arith.constant 0 : i32
      %dma_wait3A_63 = tpu.memref_slice %arg17[%mul3A_28, %dma_wait3A_62] : memref<10000x128xf32, #tpu.memory_space<vmem_shared>> -> memref<624x128xf32, #tpu.memory_space<vmem_shared>>
      %dma_wait3A_64 = arith.constant 0 : i32
      %dma_wait3A_65 = tpu.memref_slice %arg5[%mul3A_28, %dma_wait3A_64] : memref<10000x128xf32, #tpu.memory_space<hbm>> -> memref<624x128xf32, #tpu.memory_space<hbm>>
      tpu.wait_dma2 semaphore(%run_scoped3A : memref<!tpu.dma_semaphore, #tpu.memory_space<semaphore_mem>>) src(%dma_wait3A_65 : memref<624x128xf32, #tpu.memory_space<hbm>>) dst(%dma_wait3A_63 : memref<624x128xf32, #tpu.memory_space<vmem_shared>>)
      tpu.yield
    }) : () -> ()
    %eq3A = arith.constant 0 : i32
    %eq3A_29 = arith.cmpi eq, %arg1, %eq3A : i32
    %convert_element_type3A = arith.extui %eq3A_29 : i1 to i32
    %cond3A = arith.constant 0 : i32
    %cond3A_30 = arith.cmpi ne, %convert_element_type3A, %cond3A : i32
    scf.if %cond3A_30 {
      "tpu.region"() ({
        %run_scoped3A = tpu.sem_alloc : memref<!tpu.dma_semaphore, #tpu.memory_space<semaphore_mem>>
        %dma_start3A_58 = arith.constant 9984 : i32
        %dma_start3A_59 = arith.constant 0 : i32
        %dma_start3A_60 = tpu.memref_slice %arg17[%dma_start3A_58, %dma_start3A_59] : memref<10000x128xf32, #tpu.memory_space<vmem_shared>> -> memref<16x128xf32, #tpu.memory_space<vmem_shared>>
        %dma_start3A_61 = arith.constant 9984 : i32
        %dma_start3A_62 = arith.constant 0 : i32
        %dma_start3A_63 = tpu.memref_slice %arg5[%dma_start3A_61, %dma_start3A_62] : memref<10000x128xf32, #tpu.memory_space<hbm>> -> memref<16x128xf32, #tpu.memory_space<hbm>>
        tpu.enqueue_dma source(%dma_start3A_63 : memref<16x128xf32, #tpu.memory_space<hbm>>) target(%dma_start3A_60 : memref<16x128xf32, #tpu.memory_space<vmem_shared>>) target_semaphore(%run_scoped3A : memref<!tpu.dma_semaphore, #tpu.memory_space<semaphore_mem>>)
        %dma_wait3A_64 = arith.constant 9984 : i32
        %dma_wait3A_65 = arith.constant 0 : i32
        %dma_wait3A_66 = tpu.memref_slice %arg17[%dma_wait3A_64, %dma_wait3A_65] : memref<10000x128xf32, #tpu.memory_space<vmem_shared>> -> memref<16x128xf32, #tpu.memory_space<vmem_shared>>
        %dma_wait3A_67 = arith.constant 9984 : i32
        %dma_wait3A_68 = arith.constant 0 : i32
        %dma_wait3A_69 = tpu.memref_slice %arg5[%dma_wait3A_67, %dma_wait3A_68] : memref<10000x128xf32, #tpu.memory_space<hbm>> -> memref<16x128xf32, #tpu.memory_space<hbm>>
        tpu.wait_dma2 semaphore(%run_scoped3A : memref<!tpu.dma_semaphore, #tpu.memory_space<semaphore_mem>>) src(%dma_wait3A_69 : memref<16x128xf32, #tpu.memory_space<hbm>>) dst(%dma_wait3A_66 : memref<16x128xf32, #tpu.memory_space<vmem_shared>>)
        tpu.yield
      }) : () -> ()
    } else {
    }
    %scan3A = arith.constant 0 : i32
    %scan3A_31 = arith.constant 625 : i32
    %scan3A_32 = arith.addi %scan3A, %scan3A_31 : i32
    %scan3A_33 = arith.constant 1 : i32
    scf.for %scan3A_58 = %scan3A to %scan3A_32 step %scan3A_33  : i32 {
      %mul3A_59 = arith.constant 1 : i32
      %mul3A_60 = arith.muli %scan3A_58, %mul3A_59 : i32
      %add3A_61 = arith.constant 0 : i32
      %add3A_62 = arith.addi %add3A_61, %mul3A_60 : i32
      %broadcast_in_dim3A_63 = arith.constant 0.000000e+00 : f32
      %broadcast_in_dim3A_64 = vector.broadcast %broadcast_in_dim3A_63 : f32 to vector<16xf32>
      %mul3A_65 = arith.constant 16 : i32
      %mul3A_66 = arith.muli %add3A_62, %mul3A_65 : i32
      %swap3A = arith.index_cast %mul3A_66 : i32 to index
      %swap3A_67 = tpu.vector_load %arg8[%swap3A] {strides = array<i32>} : memref<10000xf32, #tpu.memory_space<vmem>>, vector<16xf32>,
      tpu.vector_store %arg8[%swap3A], %broadcast_in_dim3A_64 {strides = array<i32>} : memref<10000xf32, #tpu.memory_space<vmem>>, vector<16xf32>,
    }
    %scan3A_34 = arith.constant 625 : i32
    %barrier3A = arith.constant 0 : index
    tpu.barrier barrier_id(%barrier3A)
    %scan3A_35 = arith.constant 0 : i32
    %scan3A_36 = arith.constant 39 : i32
    %scan3A_37 = arith.addi %scan3A_35, %scan3A_36 : i32
    %scan3A_38 = arith.constant 1 : i32
    scf.for %scan3A_58 = %scan3A_35 to %scan3A_37 step %scan3A_38  : i32 {
      %mul3A_59 = arith.constant 1 : i32
      %mul3A_60 = arith.muli %scan3A_58, %mul3A_59 : i32
      %add3A_61 = arith.constant 0 : i32
      %add3A_62 = arith.addi %add3A_61, %mul3A_60 : i32
      %mul3A_63 = arith.constant 2 : i32
      %mul3A_64 = arith.muli %mul3A_63, %add3A_62 : i32
      %dma_wait3A_65 = arith.constant 0 : i32
      %dma_wait3A_66 = arith.constant 0 : i32
      %dma_wait3A_67 = tpu.memref_slice %arg2[%dma_wait3A_65, %dma_wait3A_66] : memref<10000x128xf32, #tpu.memory_space<hbm>> -> memref<10000x128xf32, #tpu.memory_space<hbm>>
      tpu.wait_indirect_dma semaphore(%arg18 : memref<!tpu.dma_semaphore, #tpu.memory_space<semaphore_mem>>) src(%dma_wait3A_67 : memref<10000x128xf32, #tpu.memory_space<hbm>>) dst(%arg15 : memref<128x128xf32, #tpu.memory_space<vmem>>)
      %get3A = arith.constant 0 : index
      %get3A_68 = tpu.vector_load %arg11[%get3A] {strides = array<i32>} : memref<128xi32, #tpu.memory_space<vmem>>, vector<16xi32>,
      %swap3A = arith.constant 0 : index
      %swap3A_69 = tpu.vector_load %arg13[%swap3A] {strides = array<i32>} : memref<128xi32, #tpu.memory_space<vmem>>, vector<16xi32>,
      tpu.vector_store %arg13[%swap3A], %get3A_68 {strides = array<i32>} : memref<128xi32, #tpu.memory_space<vmem>>, vector<16xi32>,
      %get3A_70 = arith.constant 16 : index
      %get3A_71 = tpu.vector_load %arg11[%get3A_70] {strides = array<i32>} : memref<128xi32, #tpu.memory_space<vmem>>, vector<16xi32>,
      %swap3A_72 = arith.constant 16 : index
      %swap3A_73 = tpu.vector_load %arg13[%swap3A_72] {strides = array<i32>} : memref<128xi32, #tpu.memory_space<vmem>>, vector<16xi32>,
      tpu.vector_store %arg13[%swap3A_72], %get3A_71 {strides = array<i32>} : memref<128xi32, #tpu.memory_space<vmem>>, vector<16xi32>,
      %get3A_74 = arith.constant 32 : index
      %get3A_75 = tpu.vector_load %arg11[%get3A_74] {strides = array<i32>} : memref<128xi32, #tpu.memory_space<vmem>>, vector<16xi32>,
      %swap3A_76 = arith.constant 32 : index
      %swap3A_77 = tpu.vector_load %arg13[%swap3A_76] {strides = array<i32>} : memref<128xi32, #tpu.memory_space<vmem>>, vector<16xi32>,
      tpu.vector_store %arg13[%swap3A_76], %get3A_75 {strides = array<i32>} : memref<128xi32, #tpu.memory_space<vmem>>, vector<16xi32>,
      %get3A_78 = arith.constant 48 : index
      %get3A_79 = tpu.vector_load %arg11[%get3A_78] {strides = array<i32>} : memref<128xi32, #tpu.memory_space<vmem>>, vector<16xi32>,
      %swap3A_80 = arith.constant 48 : index
      %swap3A_81 = tpu.vector_load %arg13[%swap3A_80] {strides = array<i32>} : memref<128xi32, #tpu.memory_space<vmem>>, vector<16xi32>,
      tpu.vector_store %arg13[%swap3A_80], %get3A_79 {strides = array<i32>} : memref<128xi32, #tpu.memory_space<vmem>>, vector<16xi32>,
      %get3A_82 = arith.constant 64 : index
      %get3A_83 = tpu.vector_load %arg11[%get3A_82] {strides = array<i32>} : memref<128xi32, #tpu.memory_space<vmem>>, vector<16xi32>,
      %swap3A_84 = arith.constant 64 : index
      %swap3A_85 = tpu.vector_load %arg13[%swap3A_84] {strides = array<i32>} : memref<128xi32, #tpu.memory_space<vmem>>, vector<16xi32>,
      tpu.vector_store %arg13[%swap3A_84], %get3A_83 {strides = array<i32>} : memref<128xi32, #tpu.memory_space<vmem>>, vector<16xi32>,
      %get3A_86 = arith.constant 80 : index
      %get3A_87 = tpu.vector_load %arg11[%get3A_86] {strides = array<i32>} : memref<128xi32, #tpu.memory_space<vmem>>, vector<16xi32>,
      %swap3A_88 = arith.constant 80 : index
      %swap3A_89 = tpu.vector_load %arg13[%swap3A_88] {strides = array<i32>} : memref<128xi32, #tpu.memory_space<vmem>>, vector<16xi32>,
      tpu.vector_store %arg13[%swap3A_88], %get3A_87 {strides = array<i32>} : memref<128xi32, #tpu.memory_space<vmem>>, vector<16xi32>,
      %get3A_90 = arith.constant 96 : index
      %get3A_91 = tpu.vector_load %arg11[%get3A_90] {strides = array<i32>} : memref<128xi32, #tpu.memory_space<vmem>>, vector<16xi32>,
      %swap3A_92 = arith.constant 96 : index
      %swap3A_93 = tpu.vector_load %arg13[%swap3A_92] {strides = array<i32>} : memref<128xi32, #tpu.memory_space<vmem>>, vector<16xi32>,
      tpu.vector_store %arg13[%swap3A_92], %get3A_91 {strides = array<i32>} : memref<128xi32, #tpu.memory_space<vmem>>, vector<16xi32>,
      %get3A_94 = arith.constant 112 : index
      %get3A_95 = tpu.vector_load %arg11[%get3A_94] {strides = array<i32>} : memref<128xi32, #tpu.memory_space<vmem>>, vector<16xi32>,
      %swap3A_96 = arith.constant 112 : index
      %swap3A_97 = tpu.vector_load %arg13[%swap3A_96] {strides = array<i32>} : memref<128xi32, #tpu.memory_space<vmem>>, vector<16xi32>,
      tpu.vector_store %arg13[%swap3A_96], %get3A_95 {strides = array<i32>} : memref<128xi32, #tpu.memory_space<vmem>>, vector<16xi32>,
      %dma_start3A_98 = arith.constant 0 : i32
      %dma_start3A_99 = arith.constant 0 : i32
      %dma_start3A_100 = tpu.memref_slice %arg17[%dma_start3A_98, %dma_start3A_99] : memref<10000x128xf32, #tpu.memory_space<vmem_shared>> -> memref<10000x128xf32, #tpu.memory_space<vmem_shared>>
      tpu.enqueue_indirect_dma source(%arg15 : memref<128x128xf32, #tpu.memory_space<vmem>>) target(%dma_start3A_100 : memref<10000x128xf32, #tpu.memory_space<vmem_shared>>) offsets(%arg13 : memref<128xi32, #tpu.memory_space<vmem>>) semaphore(%arg20 : memref<!tpu.dma_semaphore, #tpu.memory_space<semaphore_mem>>) {add = true}
      %get3A_101 = arith.constant 0 : index
      %get3A_102 = tpu.vector_load %arg13[%get3A_101] {strides = array<i32>} : memref<128xi32, #tpu.memory_space<vmem>>, vector<16xi32>,
      tpu.vector_store_idx %arg8[%get3A_102], %broadcast_in_dim3A_1 {add = true} : memref<10000xf32, #tpu.memory_space<vmem>>[vector<16xi32>], vector<16xf32>,
      %get3A_103 = arith.constant 16 : index
      %get3A_104 = tpu.vector_load %arg13[%get3A_103] {strides = array<i32>} : memref<128xi32, #tpu.memory_space<vmem>>, vector<16xi32>,
      tpu.vector_store_idx %arg8[%get3A_104], %broadcast_in_dim3A_1 {add = true} : memref<10000xf32, #tpu.memory_space<vmem>>[vector<16xi32>], vector<16xf32>,
      %get3A_105 = arith.constant 32 : index
      %get3A_106 = tpu.vector_load %arg13[%get3A_105] {strides = array<i32>} : memref<128xi32, #tpu.memory_space<vmem>>, vector<16xi32>,
      tpu.vector_store_idx %arg8[%get3A_106], %broadcast_in_dim3A_1 {add = true} : memref<10000xf32, #tpu.memory_space<vmem>>[vector<16xi32>], vector<16xf32>,
      %get3A_107 = arith.constant 48 : index
      %get3A_108 = tpu.vector_load %arg13[%get3A_107] {strides = array<i32>} : memref<128xi32, #tpu.memory_space<vmem>>, vector<16xi32>,
      tpu.vector_store_idx %arg8[%get3A_108], %broadcast_in_dim3A_1 {add = true} : memref<10000xf32, #tpu.memory_space<vmem>>[vector<16xi32>], vector<16xf32>,
      %get3A_109 = arith.constant 64 : index
      %get3A_110 = tpu.vector_load %arg13[%get3A_109] {strides = array<i32>} : memref<128xi32, #tpu.memory_space<vmem>>, vector<16xi32>,
      tpu.vector_store_idx %arg8[%get3A_110], %broadcast_in_dim3A_1 {add = true} : memref<10000xf32, #tpu.memory_space<vmem>>[vector<16xi32>], vector<16xf32>,
      %get3A_111 = arith.constant 80 : index
      %get3A_112 = tpu.vector_load %arg13[%get3A_111] {strides = array<i32>} : memref<128xi32, #tpu.memory_space<vmem>>, vector<16xi32>,
      tpu.vector_store_idx %arg8[%get3A_112], %broadcast_in_dim3A_1 {add = true} : memref<10000xf32, #tpu.memory_space<vmem>>[vector<16xi32>], vector<16xf32>,
      %get3A_113 = arith.constant 96 : index
      %get3A_114 = tpu.vector_load %arg13[%get3A_113] {strides = array<i32>} : memref<128xi32, #tpu.memory_space<vmem>>, vector<16xi32>,
      tpu.vector_store_idx %arg8[%get3A_114], %broadcast_in_dim3A_1 {add = true} : memref<10000xf32, #tpu.memory_space<vmem>>[vector<16xi32>], vector<16xf32>,
      %get3A_115 = arith.constant 112 : index
      %get3A_116 = tpu.vector_load %arg13[%get3A_115] {strides = array<i32>} : memref<128xi32, #tpu.memory_space<vmem>>, vector<16xi32>,
      tpu.vector_store_idx %arg8[%get3A_116], %broadcast_in_dim3A_1 {add = true} : memref<10000xf32, #tpu.memory_space<vmem>>[vector<16xi32>], vector<16xf32>,
      %add3A_117 = arith.constant 2 : i32
      %add3A_118 = arith.addi %mul3A_64, %add3A_117 : i32
      %lt3A_119 = arith.constant 78 : i32
      %lt3A_120 = arith.cmpi slt, %add3A_118, %lt3A_119 : i32
      %convert_element_type3A_121 = arith.extui %lt3A_120 : i1 to i32
      %cond3A_122 = arith.constant 0 : i32
      %cond3A_123 = arith.cmpi ne, %convert_element_type3A_121, %cond3A_122 : i32
      scf.if %cond3A_123 {
        %add3A_203 = arith.constant 2 : i32
        %add3A_204 = arith.addi %mul3A_64, %add3A_203 : i32
        %mul3A_205 = arith.constant 32 : i32
        %mul3A_206 = arith.muli %add3A_204, %mul3A_205 : i32
        %add3A_207 = arith.addi %mul3A_206, %add3A : i32
        %mul3A_208 = arith.constant 128 : i32
        %mul3A_209 = arith.muli %add3A_207, %mul3A_208 : i32
        %dma_start3A_210 = tpu.memref_slice %arg3[%mul3A_209] : memref<320000xi32, #tpu.memory_space<hbm>> -> memref<128xi32, #tpu.memory_space<hbm>>
        %dma_start3A_211 = tpu.memref_slice %arg3[%mul3A_209] : memref<320000xi32, #tpu.memory_space<hbm>> -> memref<128xi32, #tpu.memory_space<hbm>>
        tpu.enqueue_dma source(%dma_start3A_211 : memref<128xi32, #tpu.memory_space<hbm>>) target(%arg9 : memref<128xi32, #tpu.memory_space<vmem>>) target_semaphore(%arg22 : memref<!tpu.dma_semaphore, #tpu.memory_space<semaphore_mem>>)
        %dma_start3A_212 = tpu.memref_slice %arg4[%mul3A_209] : memref<320000xi32, #tpu.memory_space<hbm>> -> memref<128xi32, #tpu.memory_space<hbm>>
        %dma_start3A_213 = tpu.memref_slice %arg4[%mul3A_209] : memref<320000xi32, #tpu.memory_space<hbm>> -> memref<128xi32, #tpu.memory_space<hbm>>
        tpu.enqueue_dma source(%dma_start3A_213 : memref<128xi32, #tpu.memory_space<hbm>>) target(%arg11 : memref<128xi32, #tpu.memory_space<vmem>>) target_semaphore(%arg22 : memref<!tpu.dma_semaphore, #tpu.memory_space<semaphore_mem>>)
      } else {
      }
      %add3A_124 = arith.constant 1 : i32
      %add3A_125 = arith.addi %mul3A_64, %add3A_124 : i32
      %lt3A_126 = arith.constant 78 : i32
      %lt3A_127 = arith.cmpi slt, %add3A_125, %lt3A_126 : i32
      %convert_element_type3A_128 = arith.extui %lt3A_127 : i1 to i32
      %cond3A_129 = arith.constant 0 : i32
      %cond3A_130 = arith.cmpi ne, %convert_element_type3A_128, %cond3A_129 : i32
      scf.if %cond3A_130 {
        %ge3A = arith.constant 2 : i32
        %ge3A_203 = arith.cmpi sge, %add3A_125, %ge3A : i32
        %convert_element_type3A_204 = arith.extui %ge3A_203 : i1 to i32
        %cond3A_205 = arith.constant 0 : i32
        %cond3A_206 = arith.cmpi ne, %convert_element_type3A_204, %cond3A_205 : i32
        scf.if %cond3A_206 {
          %dma_wait3A_219 = arith.constant 0 : i32
          %dma_wait3A_220 = arith.constant 0 : i32
          %dma_wait3A_221 = tpu.memref_slice %arg17[%dma_wait3A_219, %dma_wait3A_220] : memref<10000x128xf32, #tpu.memory_space<vmem_shared>> -> memref<10000x128xf32, #tpu.memory_space<vmem_shared>>
          tpu.wait_indirect_dma semaphore(%arg21 : memref<!tpu.dma_semaphore, #tpu.memory_space<semaphore_mem>>) src(%arg16 : memref<128x128xf32, #tpu.memory_space<vmem>>) dst(%dma_wait3A_221 : memref<10000x128xf32, #tpu.memory_space<vmem_shared>>)
        } else {
        }
        %mul3A_207 = arith.constant 32 : i32
        %mul3A_208 = arith.muli %add3A_125, %mul3A_207 : i32
        %add3A_209 = arith.addi %mul3A_208, %add3A : i32
        %mul3A_210 = arith.constant 128 : i32
        %mul3A_211 = arith.muli %add3A_209, %mul3A_210 : i32
        %dma_wait3A_212 = tpu.memref_slice %arg3[%mul3A_211] : memref<320000xi32, #tpu.memory_space<hbm>> -> memref<128xi32, #tpu.memory_space<hbm>>
        %dma_wait3A_213 = tpu.memref_slice %arg3[%mul3A_211] : memref<320000xi32, #tpu.memory_space<hbm>> -> memref<128xi32, #tpu.memory_space<hbm>>
        tpu.wait_dma2 semaphore(%arg23 : memref<!tpu.dma_semaphore, #tpu.memory_space<semaphore_mem>>) src(%dma_wait3A_213 : memref<128xi32, #tpu.memory_space<hbm>>) dst(%arg10 : memref<128xi32, #tpu.memory_space<vmem>>)
        %dma_wait3A_214 = tpu.memref_slice %arg4[%mul3A_211] : memref<320000xi32, #tpu.memory_space<hbm>> -> memref<128xi32, #tpu.memory_space<hbm>>
        %dma_wait3A_215 = tpu.memref_slice %arg4[%mul3A_211] : memref<320000xi32, #tpu.memory_space<hbm>> -> memref<128xi32, #tpu.memory_space<hbm>>
        tpu.wait_dma2 semaphore(%arg23 : memref<!tpu.dma_semaphore, #tpu.memory_space<semaphore_mem>>) src(%dma_wait3A_215 : memref<128xi32, #tpu.memory_space<hbm>>) dst(%arg12 : memref<128xi32, #tpu.memory_space<vmem>>)
        %dma_start3A_216 = arith.constant 0 : i32
        %dma_start3A_217 = arith.constant 0 : i32
        %dma_start3A_218 = tpu.memref_slice %arg2[%dma_start3A_216, %dma_start3A_217] : memref<10000x128xf32, #tpu.memory_space<hbm>> -> memref<10000x128xf32, #tpu.memory_space<hbm>>
        tpu.enqueue_indirect_dma source(%dma_start3A_218 : memref<10000x128xf32, #tpu.memory_space<hbm>>) target(%arg16 : memref<128x128xf32, #tpu.memory_space<vmem>>) offsets(%arg10 : memref<128xi32, #tpu.memory_space<vmem>>) semaphore(%arg19 : memref<!tpu.dma_semaphore, #tpu.memory_space<semaphore_mem>>)
      } else {
      }
      %mul3A_131 = arith.constant 2 : i32
      %mul3A_132 = arith.muli %mul3A_131, %add3A_62 : i32
      %add3A_133 = arith.constant 1 : i32
      %add3A_134 = arith.addi %mul3A_132, %add3A_133 : i32
      %dma_wait3A_135 = arith.constant 0 : i32
      %dma_wait3A_136 = arith.constant 0 : i32
      %dma_wait3A_137 = tpu.memref_slice %arg2[%dma_wait3A_135, %dma_wait3A_136] : memref<10000x128xf32, #tpu.memory_space<hbm>> -> memref<10000x128xf32, #tpu.memory_space<hbm>>
      tpu.wait_indirect_dma semaphore(%arg19 : memref<!tpu.dma_semaphore, #tpu.memory_space<semaphore_mem>>) src(%dma_wait3A_137 : memref<10000x128xf32, #tpu.memory_space<hbm>>) dst(%arg16 : memref<128x128xf32, #tpu.memory_space<vmem>>)
      %get3A_138 = arith.constant 0 : index
      %get3A_139 = tpu.vector_load %arg12[%get3A_138] {strides = array<i32>} : memref<128xi32, #tpu.memory_space<vmem>>, vector<16xi32>,
      %swap3A_140 = arith.constant 0 : index
      %swap3A_141 = tpu.vector_load %arg14[%swap3A_140] {strides = array<i32>} : memref<128xi32, #tpu.memory_space<vmem>>, vector<16xi32>,
      tpu.vector_store %arg14[%swap3A_140], %get3A_139 {strides = array<i32>} : memref<128xi32, #tpu.memory_space<vmem>>, vector<16xi32>,
      %get3A_142 = arith.constant 16 : index
      %get3A_143 = tpu.vector_load %arg12[%get3A_142] {strides = array<i32>} : memref<128xi32, #tpu.memory_space<vmem>>, vector<16xi32>,
      %swap3A_144 = arith.constant 16 : index
      %swap3A_145 = tpu.vector_load %arg14[%swap3A_144] {strides = array<i32>} : memref<128xi32, #tpu.memory_space<vmem>>, vector<16xi32>,
      tpu.vector_store %arg14[%swap3A_144], %get3A_143 {strides = array<i32>} : memref<128xi32, #tpu.memory_space<vmem>>, vector<16xi32>,
      %get3A_146 = arith.constant 32 : index
      %get3A_147 = tpu.vector_load %arg12[%get3A_146] {strides = array<i32>} : memref<128xi32, #tpu.memory_space<vmem>>, vector<16xi32>,
      %swap3A_148 = arith.constant 32 : index
      %swap3A_149 = tpu.vector_load %arg14[%swap3A_148] {strides = array<i32>} : memref<128xi32, #tpu.memory_space<vmem>>, vector<16xi32>,
      tpu.vector_store %arg14[%swap3A_148], %get3A_147 {strides = array<i32>} : memref<128xi32, #tpu.memory_space<vmem>>, vector<16xi32>,
      %get3A_150 = arith.constant 48 : index
      %get3A_151 = tpu.vector_load %arg12[%get3A_150] {strides = array<i32>} : memref<128xi32, #tpu.memory_space<vmem>>, vector<16xi32>,
      %swap3A_152 = arith.constant 48 : index
      %swap3A_153 = tpu.vector_load %arg14[%swap3A_152] {strides = array<i32>} : memref<128xi32, #tpu.memory_space<vmem>>, vector<16xi32>,
      tpu.vector_store %arg14[%swap3A_152], %get3A_151 {strides = array<i32>} : memref<128xi32, #tpu.memory_space<vmem>>, vector<16xi32>,
      %get3A_154 = arith.constant 64 : index
      %get3A_155 = tpu.vector_load %arg12[%get3A_154] {strides = array<i32>} : memref<128xi32, #tpu.memory_space<vmem>>, vector<16xi32>,
      %swap3A_156 = arith.constant 64 : index
      %swap3A_157 = tpu.vector_load %arg14[%swap3A_156] {strides = array<i32>} : memref<128xi32, #tpu.memory_space<vmem>>, vector<16xi32>,
      tpu.vector_store %arg14[%swap3A_156], %get3A_155 {strides = array<i32>} : memref<128xi32, #tpu.memory_space<vmem>>, vector<16xi32>,
      %get3A_158 = arith.constant 80 : index
      %get3A_159 = tpu.vector_load %arg12[%get3A_158] {strides = array<i32>} : memref<128xi32, #tpu.memory_space<vmem>>, vector<16xi32>,
      %swap3A_160 = arith.constant 80 : index
      %swap3A_161 = tpu.vector_load %arg14[%swap3A_160] {strides = array<i32>} : memref<128xi32, #tpu.memory_space<vmem>>, vector<16xi32>,
      tpu.vector_store %arg14[%swap3A_160], %get3A_159 {strides = array<i32>} : memref<128xi32, #tpu.memory_space<vmem>>, vector<16xi32>,
      %get3A_162 = arith.constant 96 : index
      %get3A_163 = tpu.vector_load %arg12[%get3A_162] {strides = array<i32>} : memref<128xi32, #tpu.memory_space<vmem>>, vector<16xi32>,
      %swap3A_164 = arith.constant 96 : index
      %swap3A_165 = tpu.vector_load %arg14[%swap3A_164] {strides = array<i32>} : memref<128xi32, #tpu.memory_space<vmem>>, vector<16xi32>,
      tpu.vector_store %arg14[%swap3A_164], %get3A_163 {strides = array<i32>} : memref<128xi32, #tpu.memory_space<vmem>>, vector<16xi32>,
      %get3A_166 = arith.constant 112 : index
      %get3A_167 = tpu.vector_load %arg12[%get3A_166] {strides = array<i32>} : memref<128xi32, #tpu.memory_space<vmem>>, vector<16xi32>,
      %swap3A_168 = arith.constant 112 : index
      %swap3A_169 = tpu.vector_load %arg14[%swap3A_168] {strides = array<i32>} : memref<128xi32, #tpu.memory_space<vmem>>, vector<16xi32>,
      tpu.vector_store %arg14[%swap3A_168], %get3A_167 {strides = array<i32>} : memref<128xi32, #tpu.memory_space<vmem>>, vector<16xi32>,
      %dma_start3A_170 = arith.constant 0 : i32
      %dma_start3A_171 = arith.constant 0 : i32
      %dma_start3A_172 = tpu.memref_slice %arg17[%dma_start3A_170, %dma_start3A_171] : memref<10000x128xf32, #tpu.memory_space<vmem_shared>> -> memref<10000x128xf32, #tpu.memory_space<vmem_shared>>
      tpu.enqueue_indirect_dma source(%arg16 : memref<128x128xf32, #tpu.memory_space<vmem>>) target(%dma_start3A_172 : memref<10000x128xf32, #tpu.memory_space<vmem_shared>>) offsets(%arg14 : memref<128xi32, #tpu.memory_space<vmem>>) semaphore(%arg21 : memref<!tpu.dma_semaphore, #tpu.memory_space<semaphore_mem>>) {add = true}
      %get3A_173 = arith.constant 0 : index
      %get3A_174 = tpu.vector_load %arg14[%get3A_173] {strides = array<i32>} : memref<128xi32, #tpu.memory_space<vmem>>, vector<16xi32>,
      tpu.vector_store_idx %arg8[%get3A_174], %broadcast_in_dim3A_1 {add = true} : memref<10000xf32, #tpu.memory_space<vmem>>[vector<16xi32>], vector<16xf32>,
      %get3A_175 = arith.constant 16 : index
      %get3A_176 = tpu.vector_load %arg14[%get3A_175] {strides = array<i32>} : memref<128xi32, #tpu.memory_space<vmem>>, vector<16xi32>,
      tpu.vector_store_idx %arg8[%get3A_176], %broadcast_in_dim3A_1 {add = true} : memref<10000xf32, #tpu.memory_space<vmem>>[vector<16xi32>], vector<16xf32>,
      %get3A_177 = arith.constant 32 : index
      %get3A_178 = tpu.vector_load %arg14[%get3A_177] {strides = array<i32>} : memref<128xi32, #tpu.memory_space<vmem>>, vector<16xi32>,
      tpu.vector_store_idx %arg8[%get3A_178], %broadcast_in_dim3A_1 {add = true} : memref<10000xf32, #tpu.memory_space<vmem>>[vector<16xi32>], vector<16xf32>,
      %get3A_179 = arith.constant 48 : index
      %get3A_180 = tpu.vector_load %arg14[%get3A_179] {strides = array<i32>} : memref<128xi32, #tpu.memory_space<vmem>>, vector<16xi32>,
      tpu.vector_store_idx %arg8[%get3A_180], %broadcast_in_dim3A_1 {add = true} : memref<10000xf32, #tpu.memory_space<vmem>>[vector<16xi32>], vector<16xf32>,
      %get3A_181 = arith.constant 64 : index
      %get3A_182 = tpu.vector_load %arg14[%get3A_181] {strides = array<i32>} : memref<128xi32, #tpu.memory_space<vmem>>, vector<16xi32>,
      tpu.vector_store_idx %arg8[%get3A_182], %broadcast_in_dim3A_1 {add = true} : memref<10000xf32, #tpu.memory_space<vmem>>[vector<16xi32>], vector<16xf32>,
      %get3A_183 = arith.constant 80 : index
      %get3A_184 = tpu.vector_load %arg14[%get3A_183] {strides = array<i32>} : memref<128xi32, #tpu.memory_space<vmem>>, vector<16xi32>,
      tpu.vector_store_idx %arg8[%get3A_184], %broadcast_in_dim3A_1 {add = true} : memref<10000xf32, #tpu.memory_space<vmem>>[vector<16xi32>], vector<16xf32>,
      %get3A_185 = arith.constant 96 : index
      %get3A_186 = tpu.vector_load %arg14[%get3A_185] {strides = array<i32>} : memref<128xi32, #tpu.memory_space<vmem>>, vector<16xi32>,
      tpu.vector_store_idx %arg8[%get3A_186], %broadcast_in_dim3A_1 {add = true} : memref<10000xf32, #tpu.memory_space<vmem>>[vector<16xi32>], vector<16xf32>,
      %get3A_187 = arith.constant 112 : index
      %get3A_188 = tpu.vector_load %arg14[%get3A_187] {strides = array<i32>} : memref<128xi32, #tpu.memory_space<vmem>>, vector<16xi32>,
      tpu.vector_store_idx %arg8[%get3A_188], %broadcast_in_dim3A_1 {add = true} : memref<10000xf32, #tpu.memory_space<vmem>>[vector<16xi32>], vector<16xf32>,
      %add3A_189 = arith.constant 2 : i32
      %add3A_190 = arith.addi %add3A_134, %add3A_189 : i32
      %lt3A_191 = arith.constant 78 : i32
      %lt3A_192 = arith.cmpi slt, %add3A_190, %lt3A_191 : i32
      %convert_element_type3A_193 = arith.extui %lt3A_192 : i1 to i32
      %cond3A_194 = arith.constant 0 : i32
      %cond3A_195 = arith.cmpi ne, %convert_element_type3A_193, %cond3A_194 : i32
      scf.if %cond3A_195 {
        %add3A_203 = arith.constant 2 : i32
        %add3A_204 = arith.addi %add3A_134, %add3A_203 : i32
        %mul3A_205 = arith.constant 32 : i32
        %mul3A_206 = arith.muli %add3A_204, %mul3A_205 : i32
        %add3A_207 = arith.addi %mul3A_206, %add3A : i32
        %mul3A_208 = arith.constant 128 : i32
        %mul3A_209 = arith.muli %add3A_207, %mul3A_208 : i32
        %dma_start3A_210 = tpu.memref_slice %arg3[%mul3A_209] : memref<320000xi32, #tpu.memory_space<hbm>> -> memref<128xi32, #tpu.memory_space<hbm>>
        %dma_start3A_211 = tpu.memref_slice %arg3[%mul3A_209] : memref<320000xi32, #tpu.memory_space<hbm>> -> memref<128xi32, #tpu.memory_space<hbm>>
        tpu.enqueue_dma source(%dma_start3A_211 : memref<128xi32, #tpu.memory_space<hbm>>) target(%arg10 : memref<128xi32, #tpu.memory_space<vmem>>) target_semaphore(%arg23 : memref<!tpu.dma_semaphore, #tpu.memory_space<semaphore_mem>>)
        %dma_start3A_212 = tpu.memref_slice %arg4[%mul3A_209] : memref<320000xi32, #tpu.memory_space<hbm>> -> memref<128xi32, #tpu.memory_space<hbm>>
        %dma_start3A_213 = tpu.memref_slice %arg4[%mul3A_209] : memref<320000xi32, #tpu.memory_space<hbm>> -> memref<128xi32, #tpu.memory_space<hbm>>
        tpu.enqueue_dma source(%dma_start3A_213 : memref<128xi32, #tpu.memory_space<hbm>>) target(%arg12 : memref<128xi32, #tpu.memory_space<vmem>>) target_semaphore(%arg23 : memref<!tpu.dma_semaphore, #tpu.memory_space<semaphore_mem>>)
      } else {
      }
      %add3A_196 = arith.constant 1 : i32
      %add3A_197 = arith.addi %add3A_134, %add3A_196 : i32
      %lt3A_198 = arith.constant 78 : i32
      %lt3A_199 = arith.cmpi slt, %add3A_197, %lt3A_198 : i32
      %convert_element_type3A_200 = arith.extui %lt3A_199 : i1 to i32
      %cond3A_201 = arith.constant 0 : i32
      %cond3A_202 = arith.cmpi ne, %convert_element_type3A_200, %cond3A_201 : i32
      scf.if %cond3A_202 {
        %ge3A = arith.constant 2 : i32
        %ge3A_203 = arith.cmpi sge, %add3A_197, %ge3A : i32
        %convert_element_type3A_204 = arith.extui %ge3A_203 : i1 to i32
        %cond3A_205 = arith.constant 0 : i32
        %cond3A_206 = arith.cmpi ne, %convert_element_type3A_204, %cond3A_205 : i32
        scf.if %cond3A_206 {
          %dma_wait3A_219 = arith.constant 0 : i32
          %dma_wait3A_220 = arith.constant 0 : i32
          %dma_wait3A_221 = tpu.memref_slice %arg17[%dma_wait3A_219, %dma_wait3A_220] : memref<10000x128xf32, #tpu.memory_space<vmem_shared>> -> memref<10000x128xf32, #tpu.memory_space<vmem_shared>>
          tpu.wait_indirect_dma semaphore(%arg20 : memref<!tpu.dma_semaphore, #tpu.memory_space<semaphore_mem>>) src(%arg15 : memref<128x128xf32, #tpu.memory_space<vmem>>) dst(%dma_wait3A_221 : memref<10000x128xf32, #tpu.memory_space<vmem_shared>>)
        } else {
        }
        %mul3A_207 = arith.constant 32 : i32
        %mul3A_208 = arith.muli %add3A_197, %mul3A_207 : i32
        %add3A_209 = arith.addi %mul3A_208, %add3A : i32
        %mul3A_210 = arith.constant 128 : i32
        %mul3A_211 = arith.muli %add3A_209, %mul3A_210 : i32
        %dma_wait3A_212 = tpu.memref_slice %arg3[%mul3A_211] : memref<320000xi32, #tpu.memory_space<hbm>> -> memref<128xi32, #tpu.memory_space<hbm>>
        %dma_wait3A_213 = tpu.memref_slice %arg3[%mul3A_211] : memref<320000xi32, #tpu.memory_space<hbm>> -> memref<128xi32, #tpu.memory_space<hbm>>
        tpu.wait_dma2 semaphore(%arg22 : memref<!tpu.dma_semaphore, #tpu.memory_space<semaphore_mem>>) src(%dma_wait3A_213 : memref<128xi32, #tpu.memory_space<hbm>>) dst(%arg9 : memref<128xi32, #tpu.memory_space<vmem>>)
        %dma_wait3A_214 = tpu.memref_slice %arg4[%mul3A_211] : memref<320000xi32, #tpu.memory_space<hbm>> -> memref<128xi32, #tpu.memory_space<hbm>>
        %dma_wait3A_215 = tpu.memref_slice %arg4[%mul3A_211] : memref<320000xi32, #tpu.memory_space<hbm>> -> memref<128xi32, #tpu.memory_space<hbm>>
        tpu.wait_dma2 semaphore(%arg22 : memref<!tpu.dma_semaphore, #tpu.memory_space<semaphore_mem>>) src(%dma_wait3A_215 : memref<128xi32, #tpu.memory_space<hbm>>) dst(%arg11 : memref<128xi32, #tpu.memory_space<vmem>>)
        %dma_start3A_216 = arith.constant 0 : i32
        %dma_start3A_217 = arith.constant 0 : i32
        %dma_start3A_218 = tpu.memref_slice %arg2[%dma_start3A_216, %dma_start3A_217] : memref<10000x128xf32, #tpu.memory_space<hbm>> -> memref<10000x128xf32, #tpu.memory_space<hbm>>
        tpu.enqueue_indirect_dma source(%dma_start3A_218 : memref<10000x128xf32, #tpu.memory_space<hbm>>) target(%arg15 : memref<128x128xf32, #tpu.memory_space<vmem>>) offsets(%arg9 : memref<128xi32, #tpu.memory_space<vmem>>) semaphore(%arg18 : memref<!tpu.dma_semaphore, #tpu.memory_space<semaphore_mem>>)
      } else {
      }
    }
    %scan3A_39 = arith.constant 39 : i32
    %dma_wait3A_40 = arith.constant 0 : i32
    %dma_wait3A_41 = arith.constant 0 : i32
    %dma_wait3A_42 = tpu.memref_slice %arg17[%dma_wait3A_40, %dma_wait3A_41] : memref<10000x128xf32, #tpu.memory_space<vmem_shared>> -> memref<10000x128xf32, #tpu.memory_space<vmem_shared>>
    tpu.wait_indirect_dma semaphore(%arg20 : memref<!tpu.dma_semaphore, #tpu.memory_space<semaphore_mem>>) src(%arg15 : memref<128x128xf32, #tpu.memory_space<vmem>>) dst(%dma_wait3A_42 : memref<10000x128xf32, #tpu.memory_space<vmem_shared>>)
    %dma_wait3A_43 = arith.constant 0 : i32
    %dma_wait3A_44 = arith.constant 0 : i32
    %dma_wait3A_45 = tpu.memref_slice %arg17[%dma_wait3A_43, %dma_wait3A_44] : memref<10000x128xf32, #tpu.memory_space<vmem_shared>> -> memref<10000x128xf32, #tpu.memory_space<vmem_shared>>
    tpu.wait_indirect_dma semaphore(%arg21 : memref<!tpu.dma_semaphore, #tpu.memory_space<semaphore_mem>>) src(%arg16 : memref<128x128xf32, #tpu.memory_space<vmem>>) dst(%dma_wait3A_45 : memref<10000x128xf32, #tpu.memory_space<vmem_shared>>)
    %lt3A = arith.constant 4 : i32
    %lt3A_46 = arith.cmpi slt, %add3A, %lt3A : i32
    %convert_element_type3A_47 = arith.extui %lt3A_46 : i1 to i32
    %cond3A_48 = arith.constant 0 : i32
    %cond3A_49 = arith.cmpi ne, %convert_element_type3A_47, %cond3A_48 : i32
    scf.if %cond3A_49 {
      %add3A_58 = arith.constant 2496 : i32
      %add3A_59 = arith.addi %add3A_58, %add3A : i32
      %mul3A_60 = arith.constant 128 : i32
      %mul3A_61 = arith.muli %add3A_59, %mul3A_60 : i32
      "tpu.region"() ({
        %run_scoped3A = tpu.sem_alloc : memref<!tpu.dma_semaphore, #tpu.memory_space<semaphore_mem>>
        %dma_start3A_83 = tpu.memref_slice %arg3[%mul3A_61] : memref<320000xi32, #tpu.memory_space<hbm>> -> memref<128xi32, #tpu.memory_space<hbm>>
        %dma_start3A_84 = tpu.memref_slice %arg3[%mul3A_61] : memref<320000xi32, #tpu.memory_space<hbm>> -> memref<128xi32, #tpu.memory_space<hbm>>
        tpu.enqueue_dma source(%dma_start3A_84 : memref<128xi32, #tpu.memory_space<hbm>>) target(%arg9 : memref<128xi32, #tpu.memory_space<vmem>>) target_semaphore(%run_scoped3A : memref<!tpu.dma_semaphore, #tpu.memory_space<semaphore_mem>>)
        %dma_wait3A_85 = tpu.memref_slice %arg3[%mul3A_61] : memref<320000xi32, #tpu.memory_space<hbm>> -> memref<128xi32, #tpu.memory_space<hbm>>
        %dma_wait3A_86 = tpu.memref_slice %arg3[%mul3A_61] : memref<320000xi32, #tpu.memory_space<hbm>> -> memref<128xi32, #tpu.memory_space<hbm>>
        tpu.wait_dma2 semaphore(%run_scoped3A : memref<!tpu.dma_semaphore, #tpu.memory_space<semaphore_mem>>) src(%dma_wait3A_86 : memref<128xi32, #tpu.memory_space<hbm>>) dst(%arg9 : memref<128xi32, #tpu.memory_space<vmem>>)
        tpu.yield
      }) : () -> ()
      "tpu.region"() ({
        %run_scoped3A = tpu.sem_alloc : memref<!tpu.dma_semaphore, #tpu.memory_space<semaphore_mem>>
        %dma_start3A_83 = tpu.memref_slice %arg4[%mul3A_61] : memref<320000xi32, #tpu.memory_space<hbm>> -> memref<128xi32, #tpu.memory_space<hbm>>
        %dma_start3A_84 = tpu.memref_slice %arg4[%mul3A_61] : memref<320000xi32, #tpu.memory_space<hbm>> -> memref<128xi32, #tpu.memory_space<hbm>>
        tpu.enqueue_dma source(%dma_start3A_84 : memref<128xi32, #tpu.memory_space<hbm>>) target(%arg13 : memref<128xi32, #tpu.memory_space<vmem>>) target_semaphore(%run_scoped3A : memref<!tpu.dma_semaphore, #tpu.memory_space<semaphore_mem>>)
        %dma_wait3A_85 = tpu.memref_slice %arg4[%mul3A_61] : memref<320000xi32, #tpu.memory_space<hbm>> -> memref<128xi32, #tpu.memory_space<hbm>>
        %dma_wait3A_86 = tpu.memref_slice %arg4[%mul3A_61] : memref<320000xi32, #tpu.memory_space<hbm>> -> memref<128xi32, #tpu.memory_space<hbm>>
        tpu.wait_dma2 semaphore(%run_scoped3A : memref<!tpu.dma_semaphore, #tpu.memory_space<semaphore_mem>>) src(%dma_wait3A_86 : memref<128xi32, #tpu.memory_space<hbm>>) dst(%arg13 : memref<128xi32, #tpu.memory_space<vmem>>)
        tpu.yield
      }) : () -> ()
      %dma_start3A_62 = arith.constant 0 : i32
      %dma_start3A_63 = arith.constant 0 : i32
      %dma_start3A_64 = tpu.memref_slice %arg2[%dma_start3A_62, %dma_start3A_63] : memref<10000x128xf32, #tpu.memory_space<hbm>> -> memref<10000x128xf32, #tpu.memory_space<hbm>>
      tpu.enqueue_indirect_dma source(%dma_start3A_64 : memref<10000x128xf32, #tpu.memory_space<hbm>>) target(%arg15 : memref<128x128xf32, #tpu.memory_space<vmem>>) offsets(%arg9 : memref<128xi32, #tpu.memory_space<vmem>>) semaphore(%arg18 : memref<!tpu.dma_semaphore, #tpu.memory_space<semaphore_mem>>)
      %dma_wait3A_65 = arith.constant 0 : i32
      %dma_wait3A_66 = arith.constant 0 : i32
      %dma_wait3A_67 = tpu.memref_slice %arg2[%dma_wait3A_65, %dma_wait3A_66] : memref<10000x128xf32, #tpu.memory_space<hbm>> -> memref<10000x128xf32, #tpu.memory_space<hbm>>
      tpu.wait_indirect_dma semaphore(%arg18 : memref<!tpu.dma_semaphore, #tpu.memory_space<semaphore_mem>>) src(%dma_wait3A_67 : memref<10000x128xf32, #tpu.memory_space<hbm>>) dst(%arg15 : memref<128x128xf32, #tpu.memory_space<vmem>>)
      "tpu.region"() ({
        %run_scoped3A = tpu.sem_alloc : memref<!tpu.dma_semaphore, #tpu.memory_space<semaphore_mem>>
        %dma_start3A_83 = arith.constant 0 : i32
        %dma_start3A_84 = arith.constant 0 : i32
        %dma_start3A_85 = tpu.memref_slice %arg17[%dma_start3A_83, %dma_start3A_84] : memref<10000x128xf32, #tpu.memory_space<vmem_shared>> -> memref<10000x128xf32, #tpu.memory_space<vmem_shared>>
        tpu.enqueue_indirect_dma source(%arg15 : memref<128x128xf32, #tpu.memory_space<vmem>>) target(%dma_start3A_85 : memref<10000x128xf32, #tpu.memory_space<vmem_shared>>) offsets(%arg13 : memref<128xi32, #tpu.memory_space<vmem>>) semaphore(%run_scoped3A : memref<!tpu.dma_semaphore, #tpu.memory_space<semaphore_mem>>) {add = true}
        %dma_wait3A_86 = arith.constant 0 : i32
        %dma_wait3A_87 = arith.constant 0 : i32
        %dma_wait3A_88 = tpu.memref_slice %arg17[%dma_wait3A_86, %dma_wait3A_87] : memref<10000x128xf32, #tpu.memory_space<vmem_shared>> -> memref<10000x128xf32, #tpu.memory_space<vmem_shared>>
        tpu.wait_indirect_dma semaphore(%run_scoped3A : memref<!tpu.dma_semaphore, #tpu.memory_space<semaphore_mem>>) src(%arg15 : memref<128x128xf32, #tpu.memory_space<vmem>>) dst(%dma_wait3A_88 : memref<10000x128xf32, #tpu.memory_space<vmem_shared>>)
        tpu.yield
      }) : () -> ()
      %get3A = arith.constant 0 : index
      %get3A_68 = tpu.vector_load %arg13[%get3A] {strides = array<i32>} : memref<128xi32, #tpu.memory_space<vmem>>, vector<16xi32>,
      tpu.vector_store_idx %arg8[%get3A_68], %broadcast_in_dim3A_1 {add = true} : memref<10000xf32, #tpu.memory_space<vmem>>[vector<16xi32>], vector<16xf32>,
      %get3A_69 = arith.constant 16 : index
      %get3A_70 = tpu.vector_load %arg13[%get3A_69] {strides = array<i32>} : memref<128xi32, #tpu.memory_space<vmem>>, vector<16xi32>,
      tpu.vector_store_idx %arg8[%get3A_70], %broadcast_in_dim3A_1 {add = true} : memref<10000xf32, #tpu.memory_space<vmem>>[vector<16xi32>], vector<16xf32>,
      %get3A_71 = arith.constant 32 : index
      %get3A_72 = tpu.vector_load %arg13[%get3A_71] {strides = array<i32>} : memref<128xi32, #tpu.memory_space<vmem>>, vector<16xi32>,
      tpu.vector_store_idx %arg8[%get3A_72], %broadcast_in_dim3A_1 {add = true} : memref<10000xf32, #tpu.memory_space<vmem>>[vector<16xi32>], vector<16xf32>,
      %get3A_73 = arith.constant 48 : index
      %get3A_74 = tpu.vector_load %arg13[%get3A_73] {strides = array<i32>} : memref<128xi32, #tpu.memory_space<vmem>>, vector<16xi32>,
      tpu.vector_store_idx %arg8[%get3A_74], %broadcast_in_dim3A_1 {add = true} : memref<10000xf32, #tpu.memory_space<vmem>>[vector<16xi32>], vector<16xf32>,
      %get3A_75 = arith.constant 64 : index
      %get3A_76 = tpu.vector_load %arg13[%get3A_75] {strides = array<i32>} : memref<128xi32, #tpu.memory_space<vmem>>, vector<16xi32>,
      tpu.vector_store_idx %arg8[%get3A_76], %broadcast_in_dim3A_1 {add = true} : memref<10000xf32, #tpu.memory_space<vmem>>[vector<16xi32>], vector<16xf32>,
      %get3A_77 = arith.constant 80 : index
      %get3A_78 = tpu.vector_load %arg13[%get3A_77] {strides = array<i32>} : memref<128xi32, #tpu.memory_space<vmem>>, vector<16xi32>,
      tpu.vector_store_idx %arg8[%get3A_78], %broadcast_in_dim3A_1 {add = true} : memref<10000xf32, #tpu.memory_space<vmem>>[vector<16xi32>], vector<16xf32>,
      %get3A_79 = arith.constant 96 : index
      %get3A_80 = tpu.vector_load %arg13[%get3A_79] {strides = array<i32>} : memref<128xi32, #tpu.memory_space<vmem>>, vector<16xi32>,
      tpu.vector_store_idx %arg8[%get3A_80], %broadcast_in_dim3A_1 {add = true} : memref<10000xf32, #tpu.memory_space<vmem>>[vector<16xi32>], vector<16xf32>,
      %get3A_81 = arith.constant 112 : index
      %get3A_82 = tpu.vector_load %arg13[%get3A_81] {strides = array<i32>} : memref<128xi32, #tpu.memory_space<vmem>>, vector<16xi32>,
      tpu.vector_store_idx %arg8[%get3A_82], %broadcast_in_dim3A_1 {add = true} : memref<10000xf32, #tpu.memory_space<vmem>>[vector<16xi32>], vector<16xf32>,
    } else {
    }
    %barrier3A_50 = arith.constant 0 : index
    tpu.barrier barrier_id(%barrier3A_50)
    %mul3A_51 = arith.constant 624 : i32
    %mul3A_52 = arith.muli %arg1, %mul3A_51 : i32
    "tpu.region"() ({
      %run_scoped3A = tpu.sem_alloc : memref<!tpu.dma_semaphore, #tpu.memory_space<semaphore_mem>>
      %dma_start3A_58 = arith.constant 0 : i32
      %dma_start3A_59 = tpu.memref_slice %arg6[%arg0, %mul3A_52, %dma_start3A_58] : memref<2x10000x128xf32, #tpu.memory_space<hbm>> -> memref<1x624x128xf32, #tpu.memory_space<hbm>>
      %dma_start3A_60 = tpu.memref_squeeze %dma_start3A_59 : memref<1x624x128xf32, #tpu.memory_space<hbm>> -> memref<624x128xf32, #tpu.memory_space<hbm>>
      %dma_start3A_61 = arith.constant 0 : i32
      %dma_start3A_62 = tpu.memref_slice %arg17[%mul3A_52, %dma_start3A_61] : memref<10000x128xf32, #tpu.memory_space<vmem_shared>> -> memref<624x128xf32, #tpu.memory_space<vmem_shared>>
      tpu.enqueue_dma source(%dma_start3A_62 : memref<624x128xf32, #tpu.memory_space<vmem_shared>>) target(%dma_start3A_60 : memref<624x128xf32, #tpu.memory_space<hbm>>) target_semaphore(%run_scoped3A : memref<!tpu.dma_semaphore, #tpu.memory_space<semaphore_mem>>)
      %dma_wait3A_63 = arith.constant 0 : i32
      %dma_wait3A_64 = tpu.memref_slice %arg6[%arg0, %mul3A_52, %dma_wait3A_63] : memref<2x10000x128xf32, #tpu.memory_space<hbm>> -> memref<1x624x128xf32, #tpu.memory_space<hbm>>
      %dma_wait3A_65 = tpu.memref_squeeze %dma_wait3A_64 : memref<1x624x128xf32, #tpu.memory_space<hbm>> -> memref<624x128xf32, #tpu.memory_space<hbm>>
      %dma_wait3A_66 = arith.constant 0 : i32
      %dma_wait3A_67 = tpu.memref_slice %arg17[%mul3A_52, %dma_wait3A_66] : memref<10000x128xf32, #tpu.memory_space<vmem_shared>> -> memref<624x128xf32, #tpu.memory_space<vmem_shared>>
      tpu.wait_dma2 semaphore(%run_scoped3A : memref<!tpu.dma_semaphore, #tpu.memory_space<semaphore_mem>>) src(%dma_wait3A_67 : memref<624x128xf32, #tpu.memory_space<vmem_shared>>) dst(%dma_wait3A_65 : memref<624x128xf32, #tpu.memory_space<hbm>>)
      tpu.yield
    }) : () -> ()
    %eq3A_53 = arith.constant 0 : i32
    %eq3A_54 = arith.cmpi eq, %arg1, %eq3A_53 : i32
    %convert_element_type3A_55 = arith.extui %eq3A_54 : i1 to i32
    %cond3A_56 = arith.constant 0 : i32
    %cond3A_57 = arith.cmpi ne, %convert_element_type3A_55, %cond3A_56 : i32
    scf.if %cond3A_57 {
      "tpu.region"() ({
        %run_scoped3A = tpu.sem_alloc : memref<!tpu.dma_semaphore, #tpu.memory_space<semaphore_mem>>
        %dma_start3A_58 = arith.constant 9984 : i32
        %dma_start3A_59 = arith.constant 0 : i32
        %dma_start3A_60 = tpu.memref_slice %arg6[%arg0, %dma_start3A_58, %dma_start3A_59] : memref<2x10000x128xf32, #tpu.memory_space<hbm>> -> memref<1x16x128xf32, #tpu.memory_space<hbm>>
        %dma_start3A_61 = tpu.memref_squeeze %dma_start3A_60 : memref<1x16x128xf32, #tpu.memory_space<hbm>> -> memref<16x128xf32, #tpu.memory_space<hbm>>
        %dma_start3A_62 = arith.constant 9984 : i32
        %dma_start3A_63 = arith.constant 0 : i32
        %dma_start3A_64 = tpu.memref_slice %arg17[%dma_start3A_62, %dma_start3A_63] : memref<10000x128xf32, #tpu.memory_space<vmem_shared>> -> memref<16x128xf32, #tpu.memory_space<vmem_shared>>
        tpu.enqueue_dma source(%dma_start3A_64 : memref<16x128xf32, #tpu.memory_space<vmem_shared>>) target(%dma_start3A_61 : memref<16x128xf32, #tpu.memory_space<hbm>>) target_semaphore(%run_scoped3A : memref<!tpu.dma_semaphore, #tpu.memory_space<semaphore_mem>>)
        %dma_wait3A_65 = arith.constant 9984 : i32
        %dma_wait3A_66 = arith.constant 0 : i32
        %dma_wait3A_67 = tpu.memref_slice %arg6[%arg0, %dma_wait3A_65, %dma_wait3A_66] : memref<2x10000x128xf32, #tpu.memory_space<hbm>> -> memref<1x16x128xf32, #tpu.memory_space<hbm>>
        %dma_wait3A_68 = tpu.memref_squeeze %dma_wait3A_67 : memref<1x16x128xf32, #tpu.memory_space<hbm>> -> memref<16x128xf32, #tpu.memory_space<hbm>>
        %dma_wait3A_69 = arith.constant 9984 : i32
        %dma_wait3A_70 = arith.constant 0 : i32
        %dma_wait3A_71 = tpu.memref_slice %arg17[%dma_wait3A_69, %dma_wait3A_70] : memref<10000x128xf32, #tpu.memory_space<vmem_shared>> -> memref<16x128xf32, #tpu.memory_space<vmem_shared>>
        tpu.wait_dma2 semaphore(%run_scoped3A : memref<!tpu.dma_semaphore, #tpu.memory_space<semaphore_mem>>) src(%dma_wait3A_71 : memref<16x128xf32, #tpu.memory_space<vmem_shared>>) dst(%dma_wait3A_68 : memref<16x128xf32, #tpu.memory_space<hbm>>)
        tpu.yield
      }) : () -> ()
    } else {
    }
    "tpu.region"() ({
      %run_scoped3A = tpu.sem_alloc : memref<!tpu.dma_semaphore, #tpu.memory_space<semaphore_mem>>
      %dma_start3A_58 = arith.constant 0 : i32
      %dma_start3A_59 = tpu.memref_slice %arg7[%arg0, %arg1, %dma_start3A_58] : memref<2x16x10000xf32, #tpu.memory_space<hbm>> -> memref<1x1x10000xf32, #tpu.memory_space<hbm>>
      %dma_start3A_60 = tpu.memref_squeeze %dma_start3A_59 : memref<1x1x10000xf32, #tpu.memory_space<hbm>> -> memref<10000xf32, #tpu.memory_space<hbm>>
      %dma_start3A_61 = arith.constant 0 : i32
      %dma_start3A_62 = tpu.memref_slice %arg7[%arg0, %arg1, %dma_start3A_61] : memref<2x16x10000xf32, #tpu.memory_space<hbm>> -> memref<1x1x10000xf32, #tpu.memory_space<hbm>>
      %dma_start3A_63 = tpu.memref_squeeze %dma_start3A_62 : memref<1x1x10000xf32, #tpu.memory_space<hbm>> -> memref<10000xf32, #tpu.memory_space<hbm>>
      tpu.enqueue_dma source(%arg8 : memref<10000xf32, #tpu.memory_space<vmem>>) target(%dma_start3A_63 : memref<10000xf32, #tpu.memory_space<hbm>>) target_semaphore(%run_scoped3A : memref<!tpu.dma_semaphore, #tpu.memory_space<semaphore_mem>>)
      %dma_wait3A_64 = arith.constant 0 : i32
      %dma_wait3A_65 = tpu.memref_slice %arg7[%arg0, %arg1, %dma_wait3A_64] : memref<2x16x10000xf32, #tpu.memory_space<hbm>> -> memref<1x1x10000xf32, #tpu.memory_space<hbm>>
      %dma_wait3A_66 = tpu.memref_squeeze %dma_wait3A_65 : memref<1x1x10000xf32, #tpu.memory_space<hbm>> -> memref<10000xf32, #tpu.memory_space<hbm>>
      %dma_wait3A_67 = arith.constant 0 : i32
      %dma_wait3A_68 = tpu.memref_slice %arg7[%arg0, %arg1, %dma_wait3A_67] : memref<2x16x10000xf32, #tpu.memory_space<hbm>> -> memref<1x1x10000xf32, #tpu.memory_space<hbm>>
      %dma_wait3A_69 = tpu.memref_squeeze %dma_wait3A_68 : memref<1x1x10000xf32, #tpu.memory_space<hbm>> -> memref<10000xf32, #tpu.memory_space<hbm>>
      tpu.wait_dma2 semaphore(%run_scoped3A : memref<!tpu.dma_semaphore, #tpu.memory_space<semaphore_mem>>) src(%arg8 : memref<10000xf32, #tpu.memory_space<vmem>>) dst(%dma_wait3A_69 : memref<10000xf32, #tpu.memory_space<hbm>>)
      tpu.yield
    }) : () -> ()
    return
  }
}

module attributes {stable_mosaic.version = 14 : i64} {
  func.func @body(%arg0: memref<2x16x10000xf32, #tpu.memory_space<vmem>>, %arg1: memref<1x10000xf32, #tpu.memory_space<vmem>>) attributes {dimension_semantics = [], scalar_prefetch = 0 : i64, scratch_operands = 0 : i64, tpu.core_type = #tpu.core_type<tc>} {
    %get3A = arith.constant 0 : index
    %get3A_0 = arith.constant 0 : index
    %get3A_1 = arith.constant 0 : index
    %get3A_2 = vector.load %arg0[%get3A, %get3A_0, %get3A_1] : memref<2x16x10000xf32, #tpu.memory_space<vmem>>, vector<2x16x10000xf32>
    %reduce_sum3A = arith.constant dense<0.000000e+00> : vector<10000xf32>
    %reduce_sum3A_3 = vector.multi_reduction <add>, %get3A_2, %reduce_sum3A [0, 1] : vector<2x16x10000xf32> to vector<10000xf32>
    %max3A = arith.constant 1.000000e+00 : f32
    %max3A_4 = vector.broadcast %max3A : f32 to vector<10000xf32>
    %max3A_5 = arith.maximumf %reduce_sum3A_3, %max3A_4 : vector<10000xf32>
    %div3A = arith.constant 1.000000e+00 : f32
    %div3A_6 = vector.broadcast %div3A : f32 to vector<10000xf32>
    %div3A_7 = arith.divf %div3A_6, %max3A_5 : vector<10000xf32>
    %broadcast_in_dim3A = vector.shape_cast %div3A_7 : vector<10000xf32> to vector<1x10000xf32>
    %swap3A = arith.constant 0 : index
    %swap3A_8 = arith.constant 0 : index
    %swap3A_9 = vector.load %arg1[%swap3A, %swap3A_8] : memref<1x10000xf32, #tpu.memory_space<vmem>>, vector<1x10000xf32>
    tpu.vector_store %arg1[%swap3A, %swap3A_8], %broadcast_in_dim3A {strides = array<i32>} : memref<1x10000xf32, #tpu.memory_space<vmem>>, vector<1x10000xf32>,
    return
  }
}

module attributes {stable_mosaic.version = 14 : i64} {
  func.func @body(%arg0: i32, %arg1: memref<2x1000x128xf32, #tpu.memory_space<vmem>>, %arg2: memref<1000x1xf32, #tpu.memory_space<vmem>>, %arg3: memref<1000x128xf32, #tpu.memory_space<vmem>>, %arg4: memref<128x128xf32, #tpu.memory_space<vmem>>, %arg5: memref<1x128xf32, #tpu.memory_space<vmem>>, %arg6: memref<128x128xf32, #tpu.memory_space<vmem>>, %arg7: memref<1000x128xf32, #tpu.memory_space<vmem>>) attributes {dimension_semantics = [#tpu.dimension_semantics<arbitrary>], iteration_bounds = array<i64: 10>, scalar_prefetch = 0 : i64, scratch_operands = 0 : i64, tpu.core_type = #tpu.core_type<tc>, window_params = [{transform_indices = @transform_0, window_bounds = array<i64: 2, 1000, 128>}, {transform_indices = @transform_1, window_bounds = array<i64: 1000, 1>}, {transform_indices = @transform_2, window_bounds = array<i64: 1000, 128>}, {pipeline_mode = #tpu.pipeline_mode<synchronous>, transform_indices = @transform_3, window_bounds = array<i64: 128, 128>}, {pipeline_mode = #tpu.pipeline_mode<synchronous>, transform_indices = @transform_4, window_bounds = array<i64: 1, 128>}, {pipeline_mode = #tpu.pipeline_mode<synchronous>, transform_indices = @transform_5, window_bounds = array<i64: 128, 128>}, {transform_indices = @transform_6, window_bounds = array<i64: 1000, 128>}]} {
    %get3A = arith.constant 0 : index
    %get3A_0 = arith.constant 0 : index
    %get3A_1 = arith.constant 0 : index
    %get3A_2 = vector.load %arg1[%get3A, %get3A_0, %get3A_1] : memref<2x1000x128xf32, #tpu.memory_space<vmem>>, vector<1x1000x128xf32>
    %get3A_3 = vector.shape_cast %get3A_2 : vector<1x1000x128xf32> to vector<1000x128xf32>
    %get3A_4 = arith.constant 1 : index
    %get3A_5 = arith.constant 0 : index
    %get3A_6 = arith.constant 0 : index
    %get3A_7 = vector.load %arg1[%get3A_4, %get3A_5, %get3A_6] : memref<2x1000x128xf32, #tpu.memory_space<vmem>>, vector<1x1000x128xf32>
    %get3A_8 = vector.shape_cast %get3A_7 : vector<1x1000x128xf32> to vector<1000x128xf32>
    %add3A = arith.addf %get3A_3, %get3A_8 : vector<1000x128xf32>
    %get3A_9 = arith.constant 0 : index
    %get3A_10 = arith.constant 0 : index
    %get3A_11 = vector.load %arg2[%get3A_9, %get3A_10] : memref<1000x1xf32, #tpu.memory_space<vmem>>, vector<1000x1xf32>
    %mul3A = vector.broadcast %get3A_11 : vector<1000x1xf32> to vector<1000x128xf32>
    %mul3A_12 = arith.mulf %add3A, %mul3A : vector<1000x128xf32>
    %get3A_13 = arith.constant 0 : index
    %get3A_14 = arith.constant 0 : index
    %get3A_15 = vector.load %arg4[%get3A_13, %get3A_14] : memref<128x128xf32, #tpu.memory_space<vmem>>, vector<128x128xf32>
    %dot_general3A = arith.constant dense<0.000000e+00> : vector<1000x128xf32>
    %dot_general3A_16 = tpu.matmul %mul3A_12, %get3A_15, %dot_general3A {dimension_numbers = #tpu.dot_dimension_numbers<[1], [1], [0], [0], [0, 0, 1, 0], [], []>, precision = #tpu.contract_precision<fp32>, transpose_lhs_hint = false} : vector<1000x128xf32>, vector<128x128xf32>, vector<1000x128xf32> -> vector<1000x128xf32>
    %get3A_17 = arith.constant 0 : index
    %get3A_18 = arith.constant 0 : index
    %get3A_19 = vector.load %arg3[%get3A_17, %get3A_18] : memref<1000x128xf32, #tpu.memory_space<vmem>>, vector<1000x128xf32>
    %get3A_20 = arith.constant 0 : index
    %get3A_21 = arith.constant 0 : index
    %get3A_22 = vector.load %arg6[%get3A_20, %get3A_21] : memref<128x128xf32, #tpu.memory_space<vmem>>, vector<128x128xf32>
    %dot_general3A_23 = arith.constant dense<0.000000e+00> : vector<1000x128xf32>
    %dot_general3A_24 = tpu.matmul %get3A_19, %get3A_22, %dot_general3A_23 {dimension_numbers = #tpu.dot_dimension_numbers<[1], [1], [0], [0], [0, 0, 1, 0], [], []>, precision = #tpu.contract_precision<fp32>, transpose_lhs_hint = false} : vector<1000x128xf32>, vector<128x128xf32>, vector<1000x128xf32> -> vector<1000x128xf32>
    %add3A_25 = arith.addf %dot_general3A_16, %dot_general3A_24 : vector<1000x128xf32>
    %get3A_26 = arith.constant 0 : index
    %get3A_27 = arith.constant 0 : index
    %get3A_28 = vector.load %arg5[%get3A_26, %get3A_27] : memref<1x128xf32, #tpu.memory_space<vmem>>, vector<1x128xf32>
    %add3A_29 = vector.broadcast %get3A_28 : vector<1x128xf32> to vector<1000x128xf32>
    %add3A_30 = arith.addf %add3A_25, %add3A_29 : vector<1000x128xf32>
    %max3A = arith.constant 0.000000e+00 : f32
    %max3A_31 = vector.broadcast %max3A : f32 to vector<1000x128xf32>
    %max3A_32 = arith.maximumf %add3A_30, %max3A_31 : vector<1000x128xf32>
    %swap3A = arith.constant 0 : index
    %swap3A_33 = arith.constant 0 : index
    %swap3A_34 = vector.load %arg7[%swap3A, %swap3A_33] : memref<1000x128xf32, #tpu.memory_space<vmem>>, vector<1000x128xf32>
    tpu.vector_store %arg7[%swap3A, %swap3A_33], %max3A_32 {strides = array<i32>} : memref<1000x128xf32, #tpu.memory_space<vmem>>, vector<1000x128xf32>,
    return
  }
  func.func @transform_0(%arg0: i32) -> (i32, i32, i32) {
    %c0_i32 = arith.constant 0 : i32
    %c0_i32_0 = arith.constant 0 : i32
    %c0_i32_1 = arith.constant 0 : i32
    return %c0_i32, %arg0, %c0_i32_0 : i32, i32, i32
  }
  func.func @transform_1(%arg0: i32) -> (i32, i32) {
    %c0_i32 = arith.constant 0 : i32
    %c0_i32_0 = arith.constant 0 : i32
    return %arg0, %c0_i32 : i32, i32
  }
  func.func @transform_2(%arg0: i32) -> (i32, i32) {
    %c0_i32 = arith.constant 0 : i32
    %c0_i32_0 = arith.constant 0 : i32
    return %arg0, %c0_i32 : i32, i32
  }
  func.func @transform_3(%arg0: i32) -> (i32, i32) {
    %c0_i32 = arith.constant 0 : i32
    %c0_i32_0 = arith.constant 0 : i32
    %c0_i32_1 = arith.constant 0 : i32
    return %c0_i32, %c0_i32_0 : i32, i32
  }
  func.func @transform_4(%arg0: i32) -> (i32, i32) {
    %c0_i32 = arith.constant 0 : i32
    %c0_i32_0 = arith.constant 0 : i32
    %c0_i32_1 = arith.constant 0 : i32
    return %c0_i32, %c0_i32_0 : i32, i32
  }
  func.func @transform_5(%arg0: i32) -> (i32, i32) {
    %c0_i32 = arith.constant 0 : i32
    %c0_i32_0 = arith.constant 0 : i32
    %c0_i32_1 = arith.constant 0 : i32
    return %c0_i32, %c0_i32_0 : i32, i32
  }
  func.func @transform_6(%arg0: i32) -> (i32, i32) {
    %c0_i32 = arith.constant 0 : i32
    %c0_i32_0 = arith.constant 0 : i32
    return %arg0, %c0_i32 : i32, i32
  }
}

module attributes {stable_mosaic.version = 14 : i64} {
  func.func @body(%arg0: i32, %arg1: memref<2x1000x128xf32, #tpu.memory_space<vmem>>, %arg2: memref<1000x1xf32, #tpu.memory_space<vmem>>, %arg3: memref<1000x128xf32, #tpu.memory_space<vmem>>, %arg4: memref<128x128xf32, #tpu.memory_space<vmem>>, %arg5: memref<1x128xf32, #tpu.memory_space<vmem>>, %arg6: memref<128x128xf32, #tpu.memory_space<vmem>>, %arg7: memref<1000x128xf32, #tpu.memory_space<vmem>>) attributes {dimension_semantics = [#tpu.dimension_semantics<arbitrary>], iteration_bounds = array<i64: 10>, scalar_prefetch = 0 : i64, scratch_operands = 0 : i64, tpu.core_type = #tpu.core_type<tc>, window_params = [{transform_indices = @transform_0, window_bounds = array<i64: 2, 1000, 128>}, {transform_indices = @transform_1, window_bounds = array<i64: 1000, 1>}, {transform_indices = @transform_2, window_bounds = array<i64: 1000, 128>}, {pipeline_mode = #tpu.pipeline_mode<synchronous>, transform_indices = @transform_3, window_bounds = array<i64: 128, 128>}, {pipeline_mode = #tpu.pipeline_mode<synchronous>, transform_indices = @transform_4, window_bounds = array<i64: 1, 128>}, {pipeline_mode = #tpu.pipeline_mode<synchronous>, transform_indices = @transform_5, window_bounds = array<i64: 128, 128>}, {transform_indices = @transform_6, window_bounds = array<i64: 1000, 128>}]} {
    %get3A = arith.constant 0 : index
    %get3A_0 = arith.constant 0 : index
    %get3A_1 = arith.constant 0 : index
    %get3A_2 = vector.load %arg1[%get3A, %get3A_0, %get3A_1] : memref<2x1000x128xf32, #tpu.memory_space<vmem>>, vector<1x1000x128xf32>
    %get3A_3 = vector.shape_cast %get3A_2 : vector<1x1000x128xf32> to vector<1000x128xf32>
    %get3A_4 = arith.constant 1 : index
    %get3A_5 = arith.constant 0 : index
    %get3A_6 = arith.constant 0 : index
    %get3A_7 = vector.load %arg1[%get3A_4, %get3A_5, %get3A_6] : memref<2x1000x128xf32, #tpu.memory_space<vmem>>, vector<1x1000x128xf32>
    %get3A_8 = vector.shape_cast %get3A_7 : vector<1x1000x128xf32> to vector<1000x128xf32>
    %add3A = arith.addf %get3A_3, %get3A_8 : vector<1000x128xf32>
    %get3A_9 = arith.constant 0 : index
    %get3A_10 = arith.constant 0 : index
    %get3A_11 = vector.load %arg2[%get3A_9, %get3A_10] : memref<1000x1xf32, #tpu.memory_space<vmem>>, vector<1000x1xf32>
    %mul3A = vector.broadcast %get3A_11 : vector<1000x1xf32> to vector<1000x128xf32>
    %mul3A_12 = arith.mulf %add3A, %mul3A : vector<1000x128xf32>
    %get3A_13 = arith.constant 0 : index
    %get3A_14 = arith.constant 0 : index
    %get3A_15 = vector.load %arg4[%get3A_13, %get3A_14] : memref<128x128xf32, #tpu.memory_space<vmem>>, vector<128x128xf32>
    %dot_general3A = arith.constant dense<0.000000e+00> : vector<1000x128xf32>
    %dot_general3A_16 = tpu.matmul %mul3A_12, %get3A_15, %dot_general3A {dimension_numbers = #tpu.dot_dimension_numbers<[1], [1], [0], [0], [0, 0, 1, 0], [], []>, precision = #tpu.contract_precision<fp32>, transpose_lhs_hint = false} : vector<1000x128xf32>, vector<128x128xf32>, vector<1000x128xf32> -> vector<1000x128xf32>
    %get3A_17 = arith.constant 0 : index
    %get3A_18 = arith.constant 0 : index
    %get3A_19 = vector.load %arg3[%get3A_17, %get3A_18] : memref<1000x128xf32, #tpu.memory_space<vmem>>, vector<1000x128xf32>
    %get3A_20 = arith.constant 0 : index
    %get3A_21 = arith.constant 0 : index
    %get3A_22 = vector.load %arg6[%get3A_20, %get3A_21] : memref<128x128xf32, #tpu.memory_space<vmem>>, vector<128x128xf32>
    %dot_general3A_23 = arith.constant dense<0.000000e+00> : vector<1000x128xf32>
    %dot_general3A_24 = tpu.matmul %get3A_19, %get3A_22, %dot_general3A_23 {dimension_numbers = #tpu.dot_dimension_numbers<[1], [1], [0], [0], [0, 0, 1, 0], [], []>, precision = #tpu.contract_precision<fp32>, transpose_lhs_hint = false} : vector<1000x128xf32>, vector<128x128xf32>, vector<1000x128xf32> -> vector<1000x128xf32>
    %add3A_25 = arith.addf %dot_general3A_16, %dot_general3A_24 : vector<1000x128xf32>
    %get3A_26 = arith.constant 0 : index
    %get3A_27 = arith.constant 0 : index
    %get3A_28 = vector.load %arg5[%get3A_26, %get3A_27] : memref<1x128xf32, #tpu.memory_space<vmem>>, vector<1x128xf32>
    %add3A_29 = vector.broadcast %get3A_28 : vector<1x128xf32> to vector<1000x128xf32>
    %add3A_30 = arith.addf %add3A_25, %add3A_29 : vector<1000x128xf32>
    %swap3A = arith.constant 0 : index
    %swap3A_31 = arith.constant 0 : index
    %swap3A_32 = vector.load %arg7[%swap3A, %swap3A_31] : memref<1000x128xf32, #tpu.memory_space<vmem>>, vector<1000x128xf32>
    tpu.vector_store %arg7[%swap3A, %swap3A_31], %add3A_30 {strides = array<i32>} : memref<1000x128xf32, #tpu.memory_space<vmem>>, vector<1000x128xf32>,
    return
  }
  func.func @transform_0(%arg0: i32) -> (i32, i32, i32) {
    %c0_i32 = arith.constant 0 : i32
    %c0_i32_0 = arith.constant 0 : i32
    %c0_i32_1 = arith.constant 0 : i32
    return %c0_i32, %arg0, %c0_i32_0 : i32, i32, i32
  }
  func.func @transform_1(%arg0: i32) -> (i32, i32) {
    %c0_i32 = arith.constant 0 : i32
    %c0_i32_0 = arith.constant 0 : i32
    return %arg0, %c0_i32 : i32, i32
  }
  func.func @transform_2(%arg0: i32) -> (i32, i32) {
    %c0_i32 = arith.constant 0 : i32
    %c0_i32_0 = arith.constant 0 : i32
    return %arg0, %c0_i32 : i32, i32
  }
  func.func @transform_3(%arg0: i32) -> (i32, i32) {
    %c0_i32 = arith.constant 0 : i32
    %c0_i32_0 = arith.constant 0 : i32
    %c0_i32_1 = arith.constant 0 : i32
    return %c0_i32, %c0_i32_0 : i32, i32
  }
  func.func @transform_4(%arg0: i32) -> (i32, i32) {
    %c0_i32 = arith.constant 0 : i32
    %c0_i32_0 = arith.constant 0 : i32
    %c0_i32_1 = arith.constant 0 : i32
    return %c0_i32, %c0_i32_0 : i32, i32
  }
  func.func @transform_5(%arg0: i32) -> (i32, i32) {
    %c0_i32 = arith.constant 0 : i32
    %c0_i32_0 = arith.constant 0 : i32
    %c0_i32_1 = arith.constant 0 : i32
    return %c0_i32, %c0_i32_0 : i32, i32
  }
  func.func @transform_6(%arg0: i32) -> (i32, i32) {
    %c0_i32 = arith.constant 0 : i32
    %c0_i32_0 = arith.constant 0 : i32
    return %arg0, %c0_i32 : i32, i32
  }
}

</mosaic_0001>

<sc_bundles>
// kernel: kernel.10.cloned.1.call-start
scs
__scs_entry_jumppad:
0x0: {  	(pc) =	sbr.rel $0x88, $3  }
0x1: {  	(tag) =	ssettag $0x0;
	lr =	simm.s32 $0x1  }
0x2: {  	[smem:$0x3F99] =	sst lr;
	_ =	strace $0xD0000000  }
0x3: {  	_ = 	snop  }
0x4: {  	_ = 	snop  }
0x5: {  	_ = 	snop  }
0x6: {  	_ = 	snop  }
0x7: {  	_ = 	snop  }
__scs_overlays_trampoline_lowered:
0x8: {  	[smem:$0x3FA8] =	sst s0  }
0x9: {  	[smem:$0x3FA9] =	sst s1  }
0xa: {  	[smem:$0x3FAA] =	sst s2  }
0xb: {  	[smem:$0x3FAB] =	sst s3  }
0xc: {  	[smem:$0x3FAC] =	sst s4  }
0xd: {  	[smem:$0x3FAD] =	sst s5  }
0xe: {  	[smem:$0x3FAE] =	sst s6  }
0xf: {  	[smem:$0x3FAF] =	sst s7  }
0x10: {  	[smem:$0x3FB0] =	sst s8  }
0x11: {  	[smem:$0x3FB1] =	sst s9;
	s0 =	simm.s32 @!p0 $0x0  }
0x12: {  	s1 =	sld [smem:$0x3F97];
	s0 =	simm.s32 @p0 $0x1  }
0x13: {  	[smem:$0x3FB2] =	sst s0;
	s0 =	simm.s32 @!p1 $0x0  }
0x14: {  	s2 =	sld [smem:$0x3F96];
	s0 =	simm.s32 @p1 $0x1  }
0x15: {  	[smem:$0x3FB3] =	sst s0;
	s0 =	simm.s32 @!p2 $0x0  }
0x16: {  	s3 =	sld [smem:$0x3FDB];
	s0 =	simm.s32 @p2 $0x1  }
0x17: {  	s4 =	simm.s32 $0x1BF5;
	[smem:$0x3FB5] =	sst s0  }
0x18: {  	s0 =	sld [smem:$0x3F98];
	_ =	swait.ge [sflag:s4], $0x0  }
0x19: {  	s7 =	sld [smem:$0x3F99]  }
0x1a: {  	s8 =	sadd.s32 $0xFFFFE003, lr  }
0x1b: {  	s9 =	sadd.s32 $0xFFFFFEF7, lr;
	s5 =	simm.s32 $0xFFFFFFFF;
	p2 =	slt.u32 s8, $0xFFFFF086  }
0x1c: {  	p1 =	slt.u32 s9, $0xF7A;
	s5 =	simm.s32 @!p2 $0x0  }
0x1d: {  	s5 =	simm.s32 @p1 $0x1;
	p0 =	seq.s32 s7, s2  }
0x1e: {  	s7 =	smul.u32 @!p0 $0xF7A, s2;
	p2 =	seq.s32 @!p0 s5, $0x0  }
0x1f: {  	s9 =	smul.u32 $0xF7A, s1;
	s8 =	simm.s32 @!p0 $0x1BF5;
	p2 =	por !p2, p0  }
0x20: {  	[sflag:s8] =	ssyncset.s32 @!p0 $0xFFFFF086;
	s6 =	sadd.s32 @!p0 s3, s7;
	s7 =	simm.s32 @!p0 $0x108  }
0x21: {  	s3 =	sadd.s32 s3, s9;
	s6 =	sadd.s32 @!p0 $0x88, s6;
	s7 =	simm.s32 @p2 $0x1082  }
0x22: {  	[simem:s7], [sflag:s8] =	dma.local @!p0 [hbm:s6], $0xF7A  }
0x23: {  	s9 =	sor.u32 $0xD0000000, s2;
	s6 =	simm.s32 $0x108;
	_ =	swait.ge @!p0 [sflag:s8], $0x0  }
0x24: {  	s3 =	sadd.s32 $0x88, s3;
	s6 =	simm.s32 @!p1 $0x1082;
	[sflag:s4] =	ssyncset.s32 $0xFFFFF086  }
0x25: {  	[simem:s6], [sflag:s4] =	dma.local [hbm:s3], $0xF7A  }
0x26: {  	[smem:$0x3F99] =	sst s1;
	(tag) =	ssettag s2;
	_ =	strace s9  }
0x27: {  	s1 =	sld [smem:$0x3FA9]  }
0x28: {  	s2 =	sld [smem:$0x3FAA]  }
0x29: {  	s4 =	sld [smem:$0x3FAC]  }
0x2a: {  	p0 =	seq.s32 s5, $0x0;
	s5 =	sld [smem:$0x3FAD]  }
0x2b: {  	s6 =	sld [smem:$0x3FAE]  }
0x2c: {  	s7 =	sld [smem:$0x3FAF]  }
0x2d: {  	s3 =	simm.s32 $0x108;
	s8 =	sld [smem:$0x3FB0]  }
0x2e: {  	s3 =	simm.s32 @!p0 $0x1082;
	s9 =	sld [smem:$0x3FB1]  }
0x2f: {  	lr =	sadd.s32 s0, s3;
	s0 =	sld [smem:$0x3FA8]  }
0x30: {  	s3 =	sld [smem:$0x3FAB]  }
0x31: {  	[smem:$0x3FB4] =	sst s10  }
0x32: {  	s10 =	sld [smem:$0x3FB2];
	_ =	sdelay $0x3  }
0x33: {  	p0 =	seq.s32 s10, $0x1;
	s10 =	sld [smem:$0x3FB4];
	_ =	sdelay $0x3  }
0x34: {  	[smem:$0x3FB4] =	sst s10  }
0x35: {  	s10 =	sld [smem:$0x3FB3];
	_ =	sdelay $0x3  }
0x36: {  	p1 =	seq.s32 s10, $0x1;
	s10 =	sld [smem:$0x3FB4];
	_ =	sdelay $0x3  }
0x37: {  	[smem:$0x3FB4] =	sst s10  }
0x38: {  	s10 =	sld [smem:$0x3FB5]  }
0x39: {  	_ = 	snop;
	(pc) =	sbr.ind lr, $3  }
0x3a: {  	_ = 	snop  }
0x3b: {  	_ = 	snop  }
0x3c: {  	p2 =	seq.s32 s10, $0x1;
	s10 =	sld [smem:$0x3FB4]  }
0x3d: {  	_ =	shalt  }
0x3e: {  	_ =	shalt  }
0x3f: {  	_ =	shalt  }
0x40: {  	_ =	shalt  }
0x41: {  	_ =	shalt  }
0x42: {  	_ =	shalt  }
0x43: {  	_ =	shalt  }
0x44: {  	_ =	shalt  }
0x45: {  	_ =	shalt  }
0x46: {  	_ =	shalt  }
0x47: {  	_ =	shalt  }
0x48: {  	_ =	shalt  }
0x49: {  	_ =	shalt  }
0x4a: {  	_ =	shalt  }
0x4b: {  	_ =	shalt  }
0x4c: {  	_ =	shalt  }
0x4d: {  	_ =	shalt  }
0x4e: {  	_ =	shalt  }
0x4f: {  	_ =	shalt  }
0x50: {  	_ =	shalt  }
0x51: {  	_ =	shalt  }
0x52: {  	_ =	shalt  }
0x53: {  	_ =	shalt  }
0x54: {  	_ =	shalt  }
0x55: {  	_ =	shalt  }
0x56: {  	_ =	shalt  }
0x57: {  	_ =	shalt  }
0x58: {  	_ =	shalt  }
0x59: {  	_ =	shalt  }
0x5a: {  	_ =	shalt  }
0x5b: {  	_ =	shalt  }
0x5c: {  	_ =	shalt  }
0x5d: {  	_ =	shalt  }
0x5e: {  	_ =	shalt  }
0x5f: {  	_ =	shalt  }
0x60: {  	_ =	shalt  }
0x61: {  	_ =	shalt  }
0x62: {  	_ =	shalt  }
0x63: {  	_ =	shalt  }
0x64: {  	_ =	shalt  }
0x65: {  	_ =	shalt  }
0x66: {  	_ =	shalt  }
0x67: {  	_ =	shalt  }
0x68: {  	_ =	shalt  }
0x69: {  	_ =	shalt  }
0x6a: {  	_ =	shalt  }
0x6b: {  	_ =	shalt  }
0x6c: {  	_ =	shalt  }
0x6d: {  	_ =	shalt  }
0x6e: {  	_ =	shalt  }
0x6f: {  	_ =	shalt  }
0x70: {  	_ =	shalt  }
0x71: {  	_ =	shalt  }
0x72: {  	_ =	shalt  }
0x73: {  	_ =	shalt  }
0x74: {  	_ =	shalt  }
0x75: {  	_ =	shalt  }
0x76: {  	_ =	shalt  }
0x77: {  	_ =	shalt  }
0x78: {  	_ =	shalt  }
0x79: {  	_ =	shalt  }
0x7a: {  	_ =	shalt  }
0x7b: {  	_ =	shalt  }
0x7c: {  	_ =	shalt  }
0x7d: {  	_ =	shalt  }
0x7e: {  	_ =	shalt  }
0x7f: {  	_ =	shalt  }
0x80: {  	_ =	shalt  }
0x81: {  	_ =	shalt  }
0x82: {  	_ =	shalt  }
0x83: {  	_ =	shalt  }
0x84: {  	_ =	shalt  }
0x85: {  	_ =	shalt  }
0x86: {  	_ =	shalt  }
0x87: {  	_ =	shalt  }
.Lfunc_end0:
.L_simem_size_0:
called_computation.1_lowered:
.L_overlay_start_0:
0x88: {  	s2 =	sld [smem:$0x3FD9]  }
0x89: {  	s3 =	sld [smem:$0x3FFE];
	_ =	sdelay $0x1  }
0x8a: {  	s1 =	srdreg.scid  }
0x8b: {  	s0 =	sand.u32 $0x1, s1  }
0x8c: {  	s14 =	sshll.u32 s0, $0xA;
	s2 =	sadd.s32 s3, s2  }
0x8d: {  	s2 =	sadd.s32 s2, s14  }
0x8e: {  	[smem:$0x3FC0] =	sst s2  }
0x8f: {  	_ = 	snop  }
0x90: {  	s2 =	sld [smem:$0x3FD0];
	_ =	sdelay $0x2  }
0x91: {  	s15 =	simm.s32 $0xA;
	s4 =	simm.s32 $0x10  }
0x92: {  	[smem:s4], [sflag:s15] =	dma.local [hbm:s2], $0x1  }
0x93: {  	_ =	swait.eq [sflag:s15], $0x1  }
0x94: {  	[sflag:s15] =	ssyncset.done $0x0  }
0x95: {  	s16 =	sld [smem:$0x10];
	[sflag:s15] =	ssyncadd.s32 $0xFFFFFFFF  }
0x96: {  	s17 =	sld [smem:$0x11];
	(tm) =	ssettm $0x1  }
0x97: {  	s18 =	sld [smem:$0x3FFB];
	_ =	sdelay $0x3  }
0x98: {  	_ =	strace s18  }
0x99: {  	s4 =	sld [smem:$0x3FFC];
	_ =	sdelay $0x3  }
0x9a: {  	_ =	strace s4  }
0x9b: {  	s4 =	sld [smem:$0x3FFD];
	_ =	sdelay $0x3  }
0x9c: {  	_ =	strace s4  }
0x9d: {  	_ =	strace $0x8FFFFFFF  }
0x9e: {  	s19 =	sld [smem:$0x3FDB];
	_ =	sdelay $0x1  }
0x9f: {  	s5 =	simm.s32 $_scs_section_size  }
0xa0: {  	s6 =	simm.s32 $_size__tile_overlayer_lowered;
	s7 =	simm.s32 $_tile_overlayer_lowered  }
0xa1: {  	s22 =	simm.s32 $0x1BFF;
	s21 =	sshll.u32 s7, $0x1;
	s4 =	sadd.s32 s5, s19  }
0xa2: {  	s8 =	simm.s32 $0x0;
	s20 =	sshll.u32 s6, $0x1;
	s6 =	sadd.s32 s21, s4  }
0xa3: {  	[timem:s8], [sflag:s22] =	dma.local [hbm:s6], s20  }
0xa4: {  	_ =	swait.ge [sflag:s22], s20  }
0xa5: {  	s5 =	ssub.s32 $0x0, s20;
	[sflag:s22] =	ssyncset.done $0x0  }
0xa6: {  	[sflag:s22] =	ssyncadd.s32 s5;
	_ =	sdelay $0x1  }
0xa7: {  	s23 =	simm.s32 $0x1B8B  }
0xa8: {  	_ =	swait.ge [sflag:s23], $0x1  }
0xa9: {  	[sflag:s23] =	ssyncset.done $0x0  }
0xaa: {  	s25 =	simm.s32 $0x1B8E;
	s24 =	sld [smem:$0x3FFE];
	[sflag:s23] =	ssyncadd.s32 $0xFFFFFFFF  }
0xab: {  	s26 =	simm.s32 $execute0_lowered;
	[smem:$0x3FD2] =	sst s25  }
0xac: {  	s6 =	sshll.u32 s26, $0x1;
	_ =	strace $0x80000049;
	[dreg:$0x1] =	wrdreg $0xFFFFFFFF  }
0xad: {  	s28 =	simm.s32 $_size_execute0_lowered;
	s4 =	sadd.s32 s4, s6;
	[dreg:$0x0] =	wrdreg $0x0  }
0xae: {  	s6 =	sshll.u32 s28, $0x1;
	[dreg:$0x2] =	wrdreg s4  }
0xaf: {  	[dreg:$0x3] =	wrdreg s6  }
0xb0: {  	[dreg:$0x4] =	wrdreg $0xC0  }
0xb1: {  	_ =	task [dreg:s8], $0x5FFFF  }
0xb2: {  	[dreg:$0x1] =	wrdreg $0xFFFFFFFF  }
0xb3: {  	[dreg:$0x0] =	wrdreg $0x60  }
0xb4: {  	[dreg:$0x2] =	wrdreg s16  }
0xb5: {  	[dreg:$0x3] =	wrdreg s24  }
0xb6: {  	[dreg:$0x4] =	wrdreg s17  }
0xb7: {  	[dreg:$0x5] =	wrdreg $0x83000  }
0xb8: {  	[dreg:$0x6] =	wrdreg $0x9  }
0xb9: {  	_ =	task.clear_ibuf [dreg:s8], $0x7FFFF;
	_ =	strace $0x90000049  }
0xba: {  	s29 =	simm.s32 $0x9;
	_ =	strace $0x8000004B  }
0xbb: {  	_ =	swait.ge [sflag:s29], $0x1  }
0xbc: {  	[sflag:s29] =	ssyncadd.s32 $0xFFFFFFFF  }
0xbd: {  	_ =	strace $0x9000004B  }
0xbe: {  	_ =	sfence  }
0xbf: {  	s30 =	sld [smem:$0x0];
	_ =	sdelay $0x2  }
0xc0: {  	s31 =	sshll.u32 s1, $0xD;
	s1 =	sshrl.u32 s1, $0x2  }
0xc1: {  	s3 =	sand.u32 $0x4000, s31;
	s1 =	sadd.s32 s1, s30  }
0xc2: {  	s0 =	sor.u32 s3, s0;
	s1 =	sshll.u32 s1, $0x11  }
0xc3: {  	s0 =	sor.u32 s1, s0  }
0xc4: {  	s0 =	sadd.s32 $0x8F2B, s0  }
0xc5: {  	[sflag:s0] =	ssyncadd.remote.s32 $0x1  }
0xc6: {  	_ =	sfence.sel $0xFFFF  }
0xc7: {  	[dreg:$0x0] =	wrdreg $0xFFFFFFFF;
	(pc) =	sbr.abs _section_cstart, $3  }
0xc8: {  	[dreg:$0x1] =	wrdreg $0xFFFFFFFF  }
0xc9: {  	_ =	task.clear_ibuf [dreg:s8], $0x2FFFF;
	_ =	strace $0x9FFFFFFF  }
0xca: {  	(tm) =	ssettm $0x7FFFFFFF  }
0xcb: {  	_ =	shalt  }
tec
execute0_lowered:
.L_overlay_start_1:
0x0: {  	(tag) =	ssettag $0x1  }
0x1: {  	s1 =	rddreg [dreg:$0x0]  }
0x2: {  	s0 =	rddreg [dreg:$0x1]  }
0x3: {  	s4 =	rddreg [dreg:$0x2]  }
0x4: {  	s2 =	rddreg [dreg:$0x3]  }
0x5: {  	s3 =	simm.s32 $0x0;
	s7 =	srdreg.scid;
	s12 =	stileid.u32  }
0x6: {  	s28 =	simm.s32 $0x200;
	s29 =	simm.s32 $0x6;
	s30 =	simm.s32 $0x4300  }
0x7: {  	s31 =	simm.s32 $0x2;
	[smem:$0x7FF] =	sst s3;
	s5 =	sadd.s32 $0xBE00, s0  }
0x8: {  	s6 =	sadd.s32 $0x2000, s0;
	s0 =	sadd.s32 $0x15C00, s0;
	s11 =	smul.u32 $0x4E000, s12  }
0x9: {  	s7 =	sand.u32 $0x1, s7;
	s9 =	sshll.u32 s12, $0x5;
	s14 =	smul.u32 $0x13800, s12  }
0xa: {  	s20 =	sadd.s32 $0x138000, s2;
	p0 =	sne.s32 s12, $0x0;
	p1 =	sgt.u32 s12, $0x1  }
0xb: {  	_ =	strace $0x8000004A;
	s8 =	ssub.s32 $0x2, s7;
	s19 =	sshll.u32 s7, $0x4  }
0xc: {  	s7 =	smul.u32 $0x138800, s7;
	[dreg:$0xb] =	wrdreg s20;
	s20 =	simm.s32 $0x4  }
0xd: {  	s10 =	sshrl.u32 s8, $0x1;
	s13 =	sor.u32 s19, s9;
	s16 =	sshrl.u32 s11, $0x2  }
0xe: {  	s17 =	sshrl.u32 s14, $0x3;
	s8 =	ssub.s32 s8, s10;
	s24 =	sor.u32 $0x200, s13  }
0xf: {  	s15 =	sadd.s32 s5, s13;
	s25 =	sadd.s32 s6, s13;
	s18 =	sadd.s32 s4, s17  }
0x10: {  	s4 =	sadd.s32 $0x27000, s4;
	s21 =	sor.u32 $0x9C00, s13;
	[dreg:$0x5] =	wrdreg s15  }
0x11: {  	s23 =	sadd.s32 s14, s7;
	s7 =	sshrl.u32 s7, $0x3;
	[dreg:$0x6] =	wrdreg s25  }
0x12: {  	s26 =	sadd.s32 s5, s24;
	s10 =	sadd.s32 s6, s24;
	[dreg:$0xa] =	wrdreg s18  }
0x13: {  	[dreg:$0xc] =	wrdreg s4;
	s22 =	sadd.s32 s5, s21;
	s14 =	sadd.s32 s6, s21  }
0x14: {  	s24 =	sshrl.u32 s23, $0x3;
	s7 =	sadd.s32 s0, s7;
	s25 =	sadd.s32 s9, s5  }
0x15: {  	s17 =	smax.u32 s8, $0x1;
	s21 =	simm.s32 $0x80;
	s23 =	simm.s32 $0x5  }
0x16: {  	s4 =	simm.s32 $0x3;
	s5 =	simm.s32 $0x0;
	[dreg:$0x7] =	wrdreg s26  }
.Ltmp0:
0x17: {  	[dreg:$0x8] =	wrdreg s10;
	s10 =	sadd.s32 s16, s2;
	(pc) =	sbr.rel .LBB2_1-.Ltmp0, $4  }
0x18: {  	[dreg:$0xd] =	wrdreg s22;
	s15 =	sadd.s32 s0, s24;
	s16 =	sadd.s32 $0x27000, s7  }
0x19: {  	s18 =	sadd.s32 s19, s25;
	s26 =	sadd.s32 s9, s6;
	s22 =	simm.s32 $0x180  }
0x1a: {  	s24 =	simm.s32 $0x300;
	s25 =	simm.s32 $0x7;
	s0 =	simm.s32 $0x280  }
0x1b: {  	[dreg:$0x9] =	wrdreg s10;
	s19 =	sadd.s32 s19, s26;
	s26 =	simm.s32 $0x1  }
.LBB2_4:
0x1c: {  	_ =	swait.ge [sflag:s4], $0x4000  }
0x1d: {  	[sflag:s4] =	ssyncset.done $0x0  }
0x1e: {  	[sflag:s4] =	ssyncadd.s32 $0xFFFFC000  }
0x1f: {  	_ =	swait.ge [sflag:s20], $0x4000  }
0x20: {  	[sflag:s20] =	ssyncset.done $0x0  }
0x21: {  	s9 =	simm.s32 @!p1 $0x0;
	s10 =	rddreg [dreg:$0xd];
	[sflag:s20] =	ssyncadd.s32 $0xFFFFC000  }
0x22: {  	[tilespmem:s9], [sflag:$0x7] =	stream.linear.gather @!p1 [hbm4b:s10+s9], $0x80, $0x38;
	[tilespmem:$0x1BB80] =	vst v63  }
0x23: {  	s10 =	simm.s32 @!p1 $0x7  }
0x24: {  	_ =	swait.ge @!p1 [sflag:s10], $0x80  }
0x25: {  	[sflag:s10] =	ssyncset.done @!p1 $0x0  }
0x26: {  	s11 =	simm.s32 @!p1 $0x200;
	[sflag:s10] =	ssyncadd.s32 @!p1 $0xFFFFFF80  }
0x27: {  	[tilespmem:s11], [sflag:$0x7] =	stream.linear.gather @!p1 [hbm4b:s14+s9], $0x80, $0x38;
	[tilespmem:$0x1BB80] =	vst v63  }
0x28: {  	_ =	swait.ge @!p1 [sflag:s10], $0x80  }
0x29: {  	[sflag:s10] =	ssyncset.done @!p1 $0x0  }
0x2a: {  	s12 =	simm.s32 @!p1 $0x80;
	s13 =	simm.s32 @!p1 $0x300;
	[sflag:s10] =	ssyncadd.s32 @!p1 $0xFFFFFF80  }
0x2b: {  	[tilespmem:s13], [sflag:$0x1] =	stream.indirect.gather @!p1 [hbm4b:s1+s12], $0x80, s9, s12, $0xb8;
	[tilespmem:$0x1BB80] =	vst v63  }
0x2c: {  	s9 =	simm.s32 @!p1 $0x1  }
0x2d: {  	_ =	swait.ge @!p1 [sflag:s9], $0x4000  }
0x2e: {  	[sflag:s9] =	ssyncset.done @!p1 $0x0  }
0x2f: {  	[sflag:s9] =	ssyncadd.s32 @!p1 $0xFFFFC000  }
0x30: {  	[spmem:s2] =	stream.indirect.scatter.add.f32 @!p1 [tilespmem:s13], [sflag:$0x7], $0x80, s11, s12, $0xb8;
	[tilespmem:$0x1BB80] =	vst v63  }
0x31: {  	_ =	swait.ge @!p1 [sflag:s10], $0x4000  }
0x32: {  	[sflag:s10] =	ssyncset.done @!p1 $0x0  }
0x33: {  	[sflag:s10] =	ssyncadd.s32 @!p1 $0xFFFFC000  }
0x34: {  	[bflag:$0x0] =	sbarrier.arrive $0xFFFF  }
0x35: {  	[hbm:s15], [sflag:s6] =	dma.local [spmem:s7], $0x2700  }
0x36: {  	_ =	swait.ge [sflag:s25], $0x2700  }
0x37: {  	s5 =	sadd.s32 $0x1, s5;
	[sflag:s25] =	ssyncset.done $0x0  }
0x38: {  	p2 =	sne.s32 s5, s17;
	[sflag:s25] =	ssyncadd.s32 $0xFFFFD900  }
0x39: {  	[hbm:s16], [sflag:s6] =	dma.local @!p0 [spmem:s8], $0x100  }
.Ltmp1:
0x3a: {  	_ = 	snop;
	(pc) =	sbr.rel @!p2 .LBB2_5-.Ltmp1, $4  }
0x3b: {  	s6 =	simm.s32 @!p0 $0x7  }
0x3c: {  	_ =	swait.ge @!p0 [sflag:s6], $0x100  }
0x3d: {  	[sflag:s6] =	ssyncset.done @!p0 $0x0  }
0x3e: {  	[sflag:s6] =	ssyncadd.s32 @!p0 $0xFFFFFF00  }
.LBB2_1:
0x3f: {  	s6 =	rddreg [dreg:$0x5]  }
0x40: {  	[tilespmem:s3], [sflag:$0x5] =	stream.linear.gather [hbm4b:s6+s3], $0x80, $0x38;
	[tilespmem:$0x1BB80] =	vst v63  }
0x41: {  	s9 =	rddreg [dreg:$0x6];
	s7 =	simm.s32 $0x100  }
0x42: {  	[tilespmem:s7], [sflag:$0x5] =	stream.linear.gather [hbm4b:s9+s3], $0x80, $0x38;
	[tilespmem:$0x1BB80] =	vst v63  }
0x43: {  	s10 =	rddreg [dreg:$0x7]  }
0x44: {  	[tilespmem:s21], [sflag:$0x6] =	stream.linear.gather [hbm4b:s10+s3], $0x80, $0x38;
	[tilespmem:$0x1BB80] =	vst v63  }
0x45: {  	s11 =	rddreg [dreg:$0x8]  }
0x46: {  	[tilespmem:s22], [sflag:$0x6] =	stream.linear.gather [hbm4b:s11+s3], $0x80, $0x38;
	[tilespmem:$0x1BB80] =	vst v63  }
0x47: {  	_ =	swait.ge [sflag:s23], $0x80  }
0x48: {  	[sflag:s23] =	ssyncset.done $0x0  }
0x49: {  	s12 =	stileid.u32;
	[sflag:s23] =	ssyncadd.s32 $0xFFFFFF80  }
0x4a: {  	s6 =	sshll.u32 s12, $0x6;
	_ =	swait.ge [sflag:s23], $0x80  }
0x4b: {  	s6 =	sor.u32 $0x1C07, s6;
	[sflag:s23] =	ssyncset.done $0x0;
	s13 =	rddreg [dreg:$0x9]  }
0x4c: {  	s8 =	rddreg [dreg:$0xa];
	[sflag:s23] =	ssyncadd.s32 $0xFFFFFF80;
	s7 =	sshrl.u32 s13, $0x3  }
0x4d: {  	[tilespmem:s24], [sflag:$0x1] =	stream.indirect.gather [hbm4b:s1+s21], $0x80, s3, s21, $0xb8;
	[tilespmem:$0x1BB80] =	vst v63  }
0x4e: {  	[spmem:s7], [sflag:s6] =	dma.local [hbm:s8], $0x2700  }
0x4f: {  	_ =	swait.ge [sflag:s25], $0x2700  }
0x50: {  	[sflag:s25] =	ssyncset.done $0x0;
	s8 =	rddreg [dreg:$0xb]  }
0x51: {  	s9 =	rddreg [dreg:$0xc];
	[sflag:s25] =	ssyncadd.s32 $0xFFFFD900;
	s8 =	sshrl.u32 @!p0 s8, $0x3  }
0x52: {  	[spmem:s8], [sflag:s6] =	dma.local @!p0 [hbm:s9], $0x100  }
0x53: {  	s9 =	simm.s32 @!p0 $0x7  }
0x54: {  	_ =	swait.ge @!p0 [sflag:s9], $0x100  }
0x55: {  	[sflag:s9] =	ssyncset.done @!p0 $0x0  }
0x56: {  	[sflag:s9] =	ssyncadd.s32 @!p0 $0xFFFFFF00  }
0x57: {  	s9 =	simm.s32 $0x0;
	[bflag:$0x0] =	sbarrier.arrive $0xFFFF  }
.LBB2_2:
0x58: {  	_ =	swait.ge [sflag:s26], $0x4000  }
0x59: {  	[sflag:s26] =	ssyncset.done $0x0  }
0x5a: {  	[sflag:s26] =	ssyncadd.s32 $0xFFFFC000  }
0x5b: {  	v0 =	vld [tilespmem:$0x100]  }
0x5c: {  	v1 =	vld [tilespmem:$0x110]  }
0x5d: {  	v2 =	vld [tilespmem:$0x120]  }
0x5e: {  	v3 =	vld [tilespmem:$0x130]  }
0x5f: {  	v4 =	vld [tilespmem:$0x140]  }
0x60: {  	v53 =	vld [tilespmem:$0x150];
	[tilespmem:$0x200] =	vst v0  }
0x61: {  	v54 =	vld [tilespmem:$0x160];
	[tilespmem:$0x210] =	vst v1  }
0x62: {  	v55 =	vld [tilespmem:$0x170];
	[tilespmem:$0x220] =	vst v2  }
0x63: {  	[tilespmem:$0x230] =	vst v3  }
0x64: {  	[tilespmem:$0x240] =	vst v4  }
0x65: {  	[tilespmem:$0x250] =	vst v53  }
0x66: {  	p2 =	seq.s32 s9, $0x9800;
	[tilespmem:$0x260] =	vst v54  }
0x67: {  	s10 =	sadd.s32 @!p2 s9, s18;
	[tilespmem:$0x270] =	vst v55  }
0x68: {  	[spmem:s2] =	stream.indirect.scatter.add.f32 [tilespmem:s24], [sflag:$0x3], $0x80, s28, s21, $0xb8;
	[tilespmem:$0x1BB80] =	vst v63  }
0x69: {  	s11 =	simm.s32 @!p2 $0x0;
	s10 =	sadd.s32 @!p2 $0x400, s10  }
0x6a: {  	[tilespmem:s11], [sflag:$0x5] =	stream.linear.gather @!p2 [hbm4b:s10+s11], $0x80, $0x38;
	[tilespmem:$0x1BB80] =	vst v63  }
0x6b: {  	p3 =	seq.s32 @!p2 s9, $0x0;
	s10 =	sadd.s32 @!p2 s9, s19  }
0x6c: {  	s12 =	simm.s32 @!p2 $0x100;
	p3 =	por p2, !p3;
	s10 =	sadd.s32 @!p2 $0x400, s10  }
0x6d: {  	[tilespmem:s12], [sflag:$0x5] =	stream.linear.gather @!p2 [hbm4b:s10+s11], $0x80, $0x38;
	[tilespmem:$0x1BB80] =	vst v63  }
0x6e: {  	_ =	swait.ge @p3 [sflag:s20], $0x4000  }
0x6f: {  	[sflag:s20] =	ssyncset.done @p3 $0x0  }
0x70: {  	[sflag:s20] =	ssyncadd.s32 @p3 $0xFFFFC000  }
0x71: {  	_ =	swait.ge [sflag:s29], $0x80  }
0x72: {  	[sflag:s29] =	ssyncset.done $0x0  }
0x73: {  	[sflag:s29] =	ssyncadd.s32 $0xFFFFFF80  }
0x74: {  	_ =	swait.ge [sflag:s29], $0x80  }
0x75: {  	[sflag:s29] =	ssyncset.done $0x0  }
0x76: {  	[sflag:s29] =	ssyncadd.s32 $0xFFFFFF80  }
0x77: {  	[tilespmem:s30], [sflag:$0x2] =	stream.indirect.gather [hbm4b:s1+s21], $0x80, s21, s21, $0xb8;
	[tilespmem:$0x1BB80] =	vst v63  }
0x78: {  	_ =	swait.ge [sflag:s31], $0x4000  }
0x79: {  	[sflag:s31] =	ssyncset.done $0x0  }
0x7a: {  	[sflag:s31] =	ssyncadd.s32 $0xFFFFC000  }
0x7b: {  	v56 =	vld [tilespmem:$0x180]  }
0x7c: {  	v57 =	vld [tilespmem:$0x190]  }
0x7d: {  	v58 =	vld [tilespmem:$0x1A0]  }
0x7e: {  	v59 =	vld [tilespmem:$0x1B0]  }
0x7f: {  	v60 =	vld [tilespmem:$0x1C0]  }
0x80: {  	v61 =	vld [tilespmem:$0x1D0];
	[tilespmem:$0x280] =	vst v56  }
0x81: {  	v62 =	vld [tilespmem:$0x1E0];
	[tilespmem:$0x290] =	vst v57  }
0x82: {  	v63 =	vld [tilespmem:$0x1F0];
	[tilespmem:$0x2A0] =	vst v58  }
0x83: {  	[tilespmem:$0x2B0] =	vst v59  }
.Ltmp2:
0x84: {  	[tilespmem:$0x2C0] =	vst v60;
	(pc) =	sbr.rel @p2 .LBB2_4-.Ltmp2, $4  }
0x85: {  	[tilespmem:$0x2D0] =	vst v61  }
0x86: {  	[tilespmem:$0x2E0] =	vst v62  }
0x87: {  	[tilespmem:$0x2F0] =	vst v63  }
0x88: {  	[spmem:s2] =	stream.indirect.scatter.add.f32 [tilespmem:s30], [sflag:$0x4], $0x80, s0, s21, $0xb8;
	[tilespmem:$0x1BB80] =	vst v63  }
0x89: {  	s10 =	sadd.s32 s9, s18  }
0x8a: {  	s13 =	sadd.s32 s9, s19;
	s10 =	sadd.s32 $0x600, s10  }
0x8b: {  	[tilespmem:s21], [sflag:$0x6] =	stream.linear.gather [hbm4b:s10+s3], $0x80, $0x38;
	[tilespmem:$0x1BB80] =	vst v63  }
0x8c: {  	s10 =	sadd.s32 $0x600, s13  }
0x8d: {  	[tilespmem:s22], [sflag:$0x6] =	stream.linear.gather [hbm4b:s10+s3], $0x80, $0x38;
	[tilespmem:$0x1BB80] =	vst v63  }
0x8e: {  	_ =	swait.ge [sflag:s4], $0x4000  }
0x8f: {  	[sflag:s4] =	ssyncset.done $0x0  }
0x90: {  	[sflag:s4] =	ssyncadd.s32 $0xFFFFC000  }
0x91: {  	_ =	swait.ge [sflag:s23], $0x80  }
0x92: {  	[sflag:s23] =	ssyncset.done $0x0  }
.Ltmp3:
0x93: {  	[sflag:s23] =	ssyncadd.s32 $0xFFFFFF80;
	(pc) =	sbr.rel .LBB2_2-.Ltmp3, $4  }
0x94: {  	_ =	swait.ge [sflag:s23], $0x80  }
0x95: {  	[sflag:s23] =	ssyncset.done $0x0  }
0x96: {  	s9 =	sadd.s32 $0x400, s9;
	[sflag:s23] =	ssyncadd.s32 $0xFFFFFF80  }
0x97: {  	[tilespmem:s24], [sflag:$0x1] =	stream.indirect.gather [hbm4b:s1+s21], $0x80, s3, s21, $0xb8;
	[tilespmem:$0x1BB80] =	vst v63  }
.LBB2_5:
0x98: {  	_ =	sfence.sel $0x180000  }
0x99: {  	[bflag:$0x0] =	sbarrier.arrive $0xFFFF  }
0x9a: {  	_ =	strace $0x9000004A  }
0x9b: {  	[bflag:$0x2] =	sbarrier.arrive $0xFFFF  }
0x9c: {  	s0 =	rddreg [dreg:$0x4]  }
0x9d: {  	s0 =	sadd.s32 @!p0 $0x100000, s0  }
0x9e: {  	[sflag:s0] =	ssyncadd.tile.s32 @!p0 $0x1;
	_ =	shalt  }
.Lfunc_end2:
_tile_overlayer_lowered:
.L_overlay_start_2:
0x9f: {  	(tag) =	ssettag $0x2  }
0xa0: {  	s0 =	rddreg [dreg:$0x0];
	s2 =	stileid.u32  }
0xa1: {  	s1 =	rddreg [dreg:$0x1];
	p0 =	sne.s32 s2, $0x0  }
0xa2: {  	s3 =	rddreg [dreg:$0x2];
	[bflag:$0x3] =	sbarrier.arrive $0xFFFF;
	s2 =	simm.s32 @!p0 $0x1C07  }
0xa3: {  	[timem:s3], [sflag:s2] =	dma.local @!p0 [hbm:s0], s1  }
0xa4: {  	s0 =	simm.s32 @!p0 $0x7  }
0xa5: {  	_ =	swait.ge @!p0 [sflag:s0], s1  }
0xa6: {  	s1 =	ssub.s32 @!p0 $0x0, s1;
	[sflag:s0] =	ssyncset.done @!p0 $0x0  }
0xa7: {  	[sflag:s0] =	ssyncadd.s32 @!p0 s1  }
0xa8: {  	[bflag:$0x3] =	sbarrier.arrive $0xFFFF  }
0xa9: {  	_ =	shalt  }

// kernel: kernel.7.cloned.1.call-start
scs
__scs_entry_jumppad:
0x0: {  	(pc) =	sbr.rel $0x88, $3  }
0x1: {  	(tag) =	ssettag $0x0;
	lr =	simm.s32 $0x1  }
0x2: {  	[smem:$0x3F99] =	sst lr;
	_ =	strace $0xD0000000  }
0x3: {  	_ = 	snop  }
0x4: {  	_ = 	snop  }
0x5: {  	_ = 	snop  }
0x6: {  	_ = 	snop  }
0x7: {  	_ = 	snop  }
__scs_overlays_trampoline_lowered:
0x8: {  	[smem:$0x3FA8] =	sst s0  }
0x9: {  	[smem:$0x3FA9] =	sst s1  }
0xa: {  	[smem:$0x3FAA] =	sst s2  }
0xb: {  	[smem:$0x3FAB] =	sst s3  }
0xc: {  	[smem:$0x3FAC] =	sst s4  }
0xd: {  	[smem:$0x3FAD] =	sst s5  }
0xe: {  	[smem:$0x3FAE] =	sst s6  }
0xf: {  	[smem:$0x3FAF] =	sst s7  }
0x10: {  	[smem:$0x3FB0] =	sst s8  }
0x11: {  	[smem:$0x3FB1] =	sst s9;
	s0 =	simm.s32 @!p0 $0x0  }
0x12: {  	s1 =	sld [smem:$0x3F97];
	s0 =	simm.s32 @p0 $0x1  }
0x13: {  	[smem:$0x3FB2] =	sst s0;
	s0 =	simm.s32 @!p1 $0x0  }
0x14: {  	s2 =	sld [smem:$0x3F96];
	s0 =	simm.s32 @p1 $0x1  }
0x15: {  	[smem:$0x3FB3] =	sst s0;
	s0 =	simm.s32 @!p2 $0x0  }
0x16: {  	s3 =	sld [smem:$0x3FDB];
	s0 =	simm.s32 @p2 $0x1  }
0x17: {  	s4 =	simm.s32 $0x1BF5;
	[smem:$0x3FB5] =	sst s0  }
0x18: {  	s0 =	sld [smem:$0x3F98];
	_ =	swait.ge [sflag:s4], $0x0  }
0x19: {  	s7 =	sld [smem:$0x3F99]  }
0x1a: {  	s8 =	sadd.s32 $0xFFFFE003, lr  }
0x1b: {  	s9 =	sadd.s32 $0xFFFFFEF7, lr;
	s5 =	simm.s32 $0xFFFFFFFF;
	p2 =	slt.u32 s8, $0xFFFFF086  }
0x1c: {  	p1 =	slt.u32 s9, $0xF7A;
	s5 =	simm.s32 @!p2 $0x0  }
0x1d: {  	s5 =	simm.s32 @p1 $0x1;
	p0 =	seq.s32 s7, s2  }
0x1e: {  	s7 =	smul.u32 @!p0 $0xF7A, s2;
	p2 =	seq.s32 @!p0 s5, $0x0  }
0x1f: {  	s9 =	smul.u32 $0xF7A, s1;
	s8 =	simm.s32 @!p0 $0x1BF5;
	p2 =	por !p2, p0  }
0x20: {  	[sflag:s8] =	ssyncset.s32 @!p0 $0xFFFFF086;
	s6 =	sadd.s32 @!p0 s3, s7;
	s7 =	simm.s32 @!p0 $0x108  }
0x21: {  	s3 =	sadd.s32 s3, s9;
	s6 =	sadd.s32 @!p0 $0x88, s6;
	s7 =	simm.s32 @p2 $0x1082  }
0x22: {  	[simem:s7], [sflag:s8] =	dma.local @!p0 [hbm:s6], $0xF7A  }
0x23: {  	s9 =	sor.u32 $0xD0000000, s2;
	s6 =	simm.s32 $0x108;
	_ =	swait.ge @!p0 [sflag:s8], $0x0  }
0x24: {  	s3 =	sadd.s32 $0x88, s3;
	s6 =	simm.s32 @!p1 $0x1082;
	[sflag:s4] =	ssyncset.s32 $0xFFFFF086  }
0x25: {  	[simem:s6], [sflag:s4] =	dma.local [hbm:s3], $0xF7A  }
0x26: {  	[smem:$0x3F99] =	sst s1;
	(tag) =	ssettag s2;
	_ =	strace s9  }
0x27: {  	s1 =	sld [smem:$0x3FA9]  }
0x28: {  	s2 =	sld [smem:$0x3FAA]  }
0x29: {  	s4 =	sld [smem:$0x3FAC]  }
0x2a: {  	p0 =	seq.s32 s5, $0x0;
	s5 =	sld [smem:$0x3FAD]  }
0x2b: {  	s6 =	sld [smem:$0x3FAE]  }
0x2c: {  	s7 =	sld [smem:$0x3FAF]  }
0x2d: {  	s3 =	simm.s32 $0x108;
	s8 =	sld [smem:$0x3FB0]  }
0x2e: {  	s3 =	simm.s32 @!p0 $0x1082;
	s9 =	sld [smem:$0x3FB1]  }
0x2f: {  	lr =	sadd.s32 s0, s3;
	s0 =	sld [smem:$0x3FA8]  }
0x30: {  	s3 =	sld [smem:$0x3FAB]  }
0x31: {  	[smem:$0x3FB4] =	sst s10  }
0x32: {  	s10 =	sld [smem:$0x3FB2];
	_ =	sdelay $0x3  }
0x33: {  	p0 =	seq.s32 s10, $0x1;
	s10 =	sld [smem:$0x3FB4];
	_ =	sdelay $0x3  }
0x34: {  	[smem:$0x3FB4] =	sst s10  }
0x35: {  	s10 =	sld [smem:$0x3FB3];
	_ =	sdelay $0x3  }
0x36: {  	p1 =	seq.s32 s10, $0x1;
	s10 =	sld [smem:$0x3FB4];
	_ =	sdelay $0x3  }
0x37: {  	[smem:$0x3FB4] =	sst s10  }
0x38: {  	s10 =	sld [smem:$0x3FB5]  }
0x39: {  	_ = 	snop;
	(pc) =	sbr.ind lr, $3  }
0x3a: {  	_ = 	snop  }
0x3b: {  	_ = 	snop  }
0x3c: {  	p2 =	seq.s32 s10, $0x1;
	s10 =	sld [smem:$0x3FB4]  }
0x3d: {  	_ =	shalt  }
0x3e: {  	_ =	shalt  }
0x3f: {  	_ =	shalt  }
0x40: {  	_ =	shalt  }
0x41: {  	_ =	shalt  }
0x42: {  	_ =	shalt  }
0x43: {  	_ =	shalt  }
0x44: {  	_ =	shalt  }
0x45: {  	_ =	shalt  }
0x46: {  	_ =	shalt  }
0x47: {  	_ =	shalt  }
0x48: {  	_ =	shalt  }
0x49: {  	_ =	shalt  }
0x4a: {  	_ =	shalt  }
0x4b: {  	_ =	shalt  }
0x4c: {  	_ =	shalt  }
0x4d: {  	_ =	shalt  }
0x4e: {  	_ =	shalt  }
0x4f: {  	_ =	shalt  }
0x50: {  	_ =	shalt  }
0x51: {  	_ =	shalt  }
0x52: {  	_ =	shalt  }
0x53: {  	_ =	shalt  }
0x54: {  	_ =	shalt  }
0x55: {  	_ =	shalt  }
0x56: {  	_ =	shalt  }
0x57: {  	_ =	shalt  }
0x58: {  	_ =	shalt  }
0x59: {  	_ =	shalt  }
0x5a: {  	_ =	shalt  }
0x5b: {  	_ =	shalt  }
0x5c: {  	_ =	shalt  }
0x5d: {  	_ =	shalt  }
0x5e: {  	_ =	shalt  }
0x5f: {  	_ =	shalt  }
0x60: {  	_ =	shalt  }
0x61: {  	_ =	shalt  }
0x62: {  	_ =	shalt  }
0x63: {  	_ =	shalt  }
0x64: {  	_ =	shalt  }
0x65: {  	_ =	shalt  }
0x66: {  	_ =	shalt  }
0x67: {  	_ =	shalt  }
0x68: {  	_ =	shalt  }
0x69: {  	_ =	shalt  }
0x6a: {  	_ =	shalt  }
0x6b: {  	_ =	shalt  }
0x6c: {  	_ =	shalt  }
0x6d: {  	_ =	shalt  }
0x6e: {  	_ =	shalt  }
0x6f: {  	_ =	shalt  }
0x70: {  	_ =	shalt  }
0x71: {  	_ =	shalt  }
0x72: {  	_ =	shalt  }
0x73: {  	_ =	shalt  }
0x74: {  	_ =	shalt  }
0x75: {  	_ =	shalt  }
0x76: {  	_ =	shalt  }
0x77: {  	_ =	shalt  }
0x78: {  	_ =	shalt  }
0x79: {  	_ =	shalt  }
0x7a: {  	_ =	shalt  }
0x7b: {  	_ =	shalt  }
0x7c: {  	_ =	shalt  }
0x7d: {  	_ =	shalt  }
0x7e: {  	_ =	shalt  }
0x7f: {  	_ =	shalt  }
0x80: {  	_ =	shalt  }
0x81: {  	_ =	shalt  }
0x82: {  	_ =	shalt  }
0x83: {  	_ =	shalt  }
0x84: {  	_ =	shalt  }
0x85: {  	_ =	shalt  }
0x86: {  	_ =	shalt  }
0x87: {  	_ =	shalt  }
.Lfunc_end0:
.L_simem_size_0:
called_computation_lowered:
.L_overlay_start_0:
0x88: {  	s2 =	sld [smem:$0x3FD9]  }
0x89: {  	s3 =	sld [smem:$0x3FFE];
	_ =	sdelay $0x1  }
0x8a: {  	s1 =	srdreg.scid  }
0x8b: {  	s0 =	sand.u32 $0x1, s1  }
0x8c: {  	s14 =	sshll.u32 s0, $0xA;
	s2 =	sadd.s32 s3, s2  }
0x8d: {  	s2 =	sadd.s32 s2, s14  }
0x8e: {  	[smem:$0x3FC0] =	sst s2  }
0x8f: {  	_ = 	snop  }
0x90: {  	s2 =	sld [smem:$0x3FD0];
	_ =	sdelay $0x2  }
0x91: {  	s4 =	simm.s32 $0xA;
	s5 =	simm.s32 $0x10;
	s15 =	sld [smem:$0x3FC9]  }
0x92: {  	[smem:s5], [sflag:s4] =	dma.local [hbm:s2], $0x1  }
0x93: {  	_ =	swait.eq [sflag:s4], $0x1  }
0x94: {  	[sflag:s4] =	ssyncset.done $0x0  }
0x95: {  	s16 =	sld [smem:$0x10];
	[sflag:s4] =	ssyncadd.s32 $0xFFFFFFFF  }
0x96: {  	s17 =	sld [smem:$0x11];
	(tm) =	ssettm $0x1  }
0x97: {  	s18 =	sld [smem:$0x3FFB];
	_ =	sdelay $0x3  }
0x98: {  	_ =	strace s18  }
0x99: {  	s5 =	sld [smem:$0x3FFC];
	_ =	sdelay $0x3  }
0x9a: {  	_ =	strace s5  }
0x9b: {  	s5 =	sld [smem:$0x3FFD];
	_ =	sdelay $0x3  }
0x9c: {  	_ =	strace s5  }
0x9d: {  	_ =	strace $0x8FFFFFFF  }
0x9e: {  	s19 =	sld [smem:$0x3FDB];
	_ =	sdelay $0x1  }
0x9f: {  	s6 =	simm.s32 $_scs_section_size  }
0xa0: {  	s7 =	simm.s32 $_size__tile_overlayer_lowered;
	s8 =	simm.s32 $_tile_overlayer_lowered  }
0xa1: {  	s22 =	simm.s32 $0x1BFF;
	s21 =	sshll.u32 s8, $0x1;
	s5 =	sadd.s32 s6, s19  }
0xa2: {  	s9 =	simm.s32 $0x0;
	s20 =	sshll.u32 s7, $0x1;
	s7 =	sadd.s32 s21, s5  }
0xa3: {  	[timem:s9], [sflag:s22] =	dma.local [hbm:s7], s20  }
0xa4: {  	_ =	swait.ge [sflag:s22], s20  }
0xa5: {  	s6 =	ssub.s32 $0x0, s20;
	[sflag:s22] =	ssyncset.done $0x0  }
0xa6: {  	[sflag:s22] =	ssyncadd.s32 s6;
	_ =	sdelay $0x1  }
0xa7: {  	s23 =	simm.s32 $0x1B8B  }
0xa8: {  	_ =	swait.ge [sflag:s23], $0x1  }
0xa9: {  	[sflag:s23] =	ssyncset.done $0x0  }
0xaa: {  	s25 =	simm.s32 $0x1B8E;
	s24 =	sld [smem:$0x3FFE];
	[sflag:s23] =	ssyncadd.s32 $0xFFFFFFFF  }
0xab: {  	s26 =	simm.s32 $execute0_lowered;
	[smem:$0x3FD2] =	sst s25  }
0xac: {  	s7 =	sshll.u32 s26, $0x1;
	_ =	strace $0x80000046;
	[dreg:$0x1] =	wrdreg $0xFFFFFFFF  }
0xad: {  	s28 =	simm.s32 $_size_execute0_lowered;
	s5 =	sadd.s32 s5, s7;
	[dreg:$0x0] =	wrdreg $0x0  }
0xae: {  	s7 =	sshll.u32 s28, $0x1;
	[dreg:$0x2] =	wrdreg s5  }
0xaf: {  	[dreg:$0x3] =	wrdreg s7  }
0xb0: {  	[dreg:$0x4] =	wrdreg $0xC0  }
0xb1: {  	_ =	task [dreg:s9], $0x5FFFF  }
0xb2: {  	[dreg:$0x1] =	wrdreg $0xFFFFFFFF  }
0xb3: {  	[dreg:$0x0] =	wrdreg $0x60  }
0xb4: {  	[dreg:$0x2] =	wrdreg s15  }
0xb5: {  	[dreg:$0x3] =	wrdreg s24  }
0xb6: {  	[dreg:$0x4] =	wrdreg s17  }
0xb7: {  	[dreg:$0x5] =	wrdreg s16  }
0xb8: {  	[dreg:$0x6] =	wrdreg $0xAA800  }
0xb9: {  	[dreg:$0x7] =	wrdreg $0x9  }
0xba: {  	_ =	task.clear_ibuf [dreg:s9], $0x8FFFF;
	_ =	strace $0x90000046  }
0xbb: {  	s29 =	simm.s32 $0x9;
	_ =	strace $0x80000048  }
0xbc: {  	_ =	swait.ge [sflag:s29], $0x1  }
0xbd: {  	[sflag:s29] =	ssyncadd.s32 $0xFFFFFFFF  }
0xbe: {  	_ =	strace $0x90000048  }
0xbf: {  	_ =	sfence  }
0xc0: {  	s30 =	sld [smem:$0x0];
	_ =	sdelay $0x2  }
0xc1: {  	s31 =	sshll.u32 s1, $0xD;
	s1 =	sshrl.u32 s1, $0x2  }
0xc2: {  	s3 =	sand.u32 $0x4000, s31;
	s1 =	sadd.s32 s1, s30  }
0xc3: {  	s0 =	sor.u32 s3, s0;
	s1 =	sshll.u32 s1, $0x11  }
0xc4: {  	s0 =	sor.u32 s1, s0  }
0xc5: {  	s0 =	sadd.s32 $0x8F2B, s0  }
0xc6: {  	[sflag:s0] =	ssyncadd.remote.s32 $0x1  }
0xc7: {  	_ =	sfence.sel $0xFFFF  }
0xc8: {  	[dreg:$0x0] =	wrdreg $0xFFFFFFFF;
	(pc) =	sbr.abs _section_cstart, $3  }
0xc9: {  	[dreg:$0x1] =	wrdreg $0xFFFFFFFF  }
0xca: {  	_ =	task.clear_ibuf [dreg:s9], $0x2FFFF;
	_ =	strace $0x9FFFFFFF  }
0xcb: {  	(tm) =	ssettm $0x7FFFFFFF  }
tec
execute0_lowered:
.L_overlay_start_1:
0x0: {  	(tag) =	ssettag $0x1  }
0x1: {  	s1 =	rddreg [dreg:$0x0]  }
0x2: {  	s0 =	rddreg [dreg:$0x1]  }
0x3: {  	s4 =	rddreg [dreg:$0x2]  }
0x4: {  	s5 =	rddreg [dreg:$0x3]  }
0x5: {  	s2 =	rddreg [dreg:$0x4]  }
0x6: {  	s3 =	simm.s32 $0x0;
	s8 =	srdreg.scid;
	s17 =	stileid.u32  }
0x7: {  	s28 =	simm.s32 $0x2A80;
	s29 =	simm.s32 $0x7;
	s30 =	simm.s32 $0x1  }
0x8: {  	s31 =	simm.s32 $0x2980;
	[smem:$0x7FF] =	sst s3;
	s6 =	sadd.s32 $0xBE00, s0  }
0x9: {  	s7 =	sadd.s32 $0x2000, s0;
	s0 =	sadd.s32 $0x15C00, s0;
	s14 =	smul.u32 $0x4E000, s17  }
0xa: {  	s8 =	sand.u32 $0x1, s8;
	s10 =	sshll.u32 s17, $0x5;
	s15 =	smul.u32 $0x13800, s17  }
0xb: {  	s26 =	sshrl.u32 s17, $0x3;
	s18 =	sadd.s32 $0x138000, s2;
	p0 =	sne.s32 s17, $0x0  }
0xc: {  	p1 =	sgt.u32 s17, $0x1;
	_ =	strace $0x80000047;
	s25 =	smul.u32 $0x27800, s8  }
0xd: {  	s9 =	ssub.s32 $0x2, s8;
	s11 =	sshll.u32 s8, $0x4;
	s19 =	smul.u32 $0x13C00, s26  }
0xe: {  	[dreg:$0xc] =	wrdreg s18;
	s8 =	smul.u32 $0x138800, s8;
	s13 =	sor.u32 s11, s10  }
0xf: {  	s26 =	sadd.s32 s10, s7;
	s12 =	sshrl.u32 s9, $0x1;
	s20 =	sadd.s32 s6, s13  }
0x10: {  	s14 =	sshrl.u32 s14, $0x2;
	s21 =	sadd.s32 s7, s13;
	[dreg:$0x6] =	wrdreg s20  }
0x11: {  	s22 =	sor.u32 $0x200, s13;
	s23 =	sadd.s32 s14, s2;
	[dreg:$0x7] =	wrdreg s21  }
0x12: {  	s24 =	sshrl.u32 s15, $0x3;
	s16 =	sadd.s32 s6, s22;
	[dreg:$0xa] =	wrdreg s23  }
0x13: {  	s9 =	ssub.s32 s9, s12;
	s12 =	sadd.s32 s7, s22;
	[dreg:$0x8] =	wrdreg s16  }
0x14: {  	s20 =	sor.u32 $0x9C00, s13;
	[dreg:$0x9] =	wrdreg s12;
	s12 =	sadd.s32 s4, s24  }
0x15: {  	s21 =	sshll.u32 s17, $0x7;
	s4 =	sadd.s32 $0x27000, s4;
	[dreg:$0xb] =	wrdreg s12  }
0x16: {  	s22 =	sadd.s32 s15, s8;
	s13 =	sadd.s32 s6, s20;
	[dreg:$0xd] =	wrdreg s4  }
0x17: {  	s8 =	sshrl.u32 s8, $0x3;
	s18 =	smax.u32 s9, $0x1;
	[dreg:$0xe] =	wrdreg s13  }
0x18: {  	s12 =	sadd.s32 s25, s19;
	s4 =	sadd.s32 s7, s20;
	s13 =	sand.u32 $0x380, s21  }
0x19: {  	s25 =	sadd.s32 s10, s6;
	s20 =	sadd.s32 s11, s26;
	s21 =	simm.s32 $0x2780  }
0x1a: {  	s26 =	simm.s32 $0x80;
	s6 =	simm.s32 $0x3;
	s7 =	simm.s32 $0x4  }
0x1b: {  	[dreg:$0xf] =	wrdreg s4;
	s4 =	sshrl.u32 s22, $0x3;
	s12 =	sor.u32 s13, s12  }
0x1c: {  	s19 =	sadd.s32 s11, s25;
	s25 =	simm.s32 $0x5;
	s22 =	simm.s32 $0x6A80  }
.Ltmp0:
0x1d: {  	s4 =	sadd.s32 s0, s4;
	s0 =	sadd.s32 s0, s8;
	(pc) =	sbr.rel .LBB2_1-.Ltmp0, $4  }
0x1e: {  	s23 =	sshrl.u32 s12, $0x3;
	s8 =	simm.s32 $0x0;
	[dreg:$0x10] =	wrdreg s4  }
0x1f: {  	s0 =	sadd.s32 $0x27000, s0;
	s24 =	sadd.s32 s5, s23;
	s23 =	simm.s32 $0x2800  }
0x20: {  	s4 =	simm.s32 $0x2;
	s5 =	simm.s32 $0x2A00;
	[dreg:$0x11] =	wrdreg s0  }
0x21: {  	v0 =	vimm.f32 $0.0e+00;
	v1 =	vimm.f32 $1.000000000e+00;
	[dreg:$0x12] =	wrdreg s24;
	s24 =	simm.s32 $0x2900;
	s0 =	simm.s32 $0x6  }
.LBB2_6:
0x22: {  	_ =	swait.ge [sflag:s6], $0x4000  }
0x23: {  	[sflag:s6] =	ssyncset.done $0x0  }
0x24: {  	[sflag:s6] =	ssyncadd.s32 $0xFFFFC000  }
0x25: {  	_ =	swait.ge [sflag:s7], $0x4000  }
0x26: {  	s12 =	simm.s32 @!p1 $0x0;
	[sflag:s7] =	ssyncset.done $0x0  }
0x27: {  	s13 =	simm.s32 @!p1 $0x2780;
	s14 =	rddreg [dreg:$0xe];
	[sflag:s7] =	ssyncadd.s32 $0xFFFFC000  }
0x28: {  	[tilespmem:s13], [sflag:$0x7] =	stream.linear.gather @!p1 [hbm4b:s14+s12], $0x80, $0x38;
	[tilespmem:$0x1E300] =	vst v63  }
0x29: {  	s14 =	simm.s32 @!p1 $0x7  }
0x2a: {  	_ =	swait.ge @!p1 [sflag:s14], $0x80  }
0x2b: {  	[sflag:s14] =	ssyncset.done @!p1 $0x0  }
0x2c: {  	s15 =	simm.s32 @!p1 $0x2980;
	s16 =	rddreg [dreg:$0xf];
	[sflag:s14] =	ssyncadd.s32 @!p1 $0xFFFFFF80  }
0x2d: {  	[tilespmem:s15], [sflag:$0x7] =	stream.linear.gather @!p1 [hbm4b:s16+s12], $0x80, $0x38;
	[tilespmem:$0x1E300] =	vst v63  }
0x2e: {  	_ =	swait.ge @!p1 [sflag:s14], $0x80  }
0x2f: {  	[sflag:s14] =	ssyncset.done @!p1 $0x0  }
0x30: {  	s17 =	simm.s32 @!p1 $0x2A80;
	s16 =	simm.s32 @!p1 $0x80;
	[sflag:s14] =	ssyncadd.s32 @!p1 $0xFFFFFF80  }
0x31: {  	[tilespmem:s17], [sflag:$0x1] =	stream.indirect.gather @!p1 [hbm4b:s1+s16], $0x80, s13, s16, $0xb8;
	[tilespmem:$0x1E300] =	vst v63  }
0x32: {  	s13 =	simm.s32 @!p1 $0x1  }
0x33: {  	_ =	swait.ge @!p1 [sflag:s13], $0x4000  }
0x34: {  	[sflag:s13] =	ssyncset.done @!p1 $0x0  }
0x35: {  	[sflag:s13] =	ssyncadd.s32 @!p1 $0xFFFFC000  }
0x36: {  	[spmem:s2] =	stream.indirect.scatter.add.f32 @!p1 [tilespmem:s17], [sflag:$0x7], $0x80, s15, s16, $0xb8;
	[tilespmem:$0x1E300] =	vst v63  }
0x37: {  	_ =	swait.ge @!p1 [sflag:s14], $0x4000  }
0x38: {  	[sflag:s14] =	ssyncset.done @!p1 $0x0  }
0x39: {  	[sflag:s14] =	ssyncadd.s32 @!p1 $0xFFFFC000  }
0x3a: {  	v2 =	vld @!p1 [tilespmem:$0x2980];
	_ =	sdelay $0x6  }
0x3b: {  	v3 =	vimm.f32 @!p1 $1.000000000e+00  }
0x3c: {  	[tilespmem:v2+s12+$0x0] =	vst.idx.add.f32.msk @!p1 $0xffff, v3  }
0x3d: {  	v2 =	vld @!p1 [tilespmem:$0x2990];
	_ =	sdelay $0x7  }
0x3e: {  	[tilespmem:v2+s12+$0x0] =	vst.idx.add.f32.msk @!p1 $0xffff, v3  }
0x3f: {  	v2 =	vld @!p1 [tilespmem:$0x29A0];
	_ =	sdelay $0x7  }
0x40: {  	[tilespmem:v2+s12+$0x0] =	vst.idx.add.f32.msk @!p1 $0xffff, v3  }
0x41: {  	v2 =	vld @!p1 [tilespmem:$0x29B0];
	_ =	sdelay $0x7  }
0x42: {  	[tilespmem:v2+s12+$0x0] =	vst.idx.add.f32.msk @!p1 $0xffff, v3  }
0x43: {  	v2 =	vld @!p1 [tilespmem:$0x29C0];
	_ =	sdelay $0x7  }
0x44: {  	[tilespmem:v2+s12+$0x0] =	vst.idx.add.f32.msk @!p1 $0xffff, v3  }
0x45: {  	v2 =	vld @!p1 [tilespmem:$0x29D0];
	_ =	sdelay $0x7  }
0x46: {  	[tilespmem:v2+s12+$0x0] =	vst.idx.add.f32.msk @!p1 $0xffff, v3  }
0x47: {  	v2 =	vld @!p1 [tilespmem:$0x29E0];
	_ =	sdelay $0x7  }
0x48: {  	[tilespmem:v2+s12+$0x0] =	vst.idx.add.f32.msk @!p1 $0xffff, v3  }
0x49: {  	v2 =	vld @!p1 [tilespmem:$0x29F0];
	_ =	sdelay $0x7  }
0x4a: {  	[tilespmem:v2+s12+$0x0] =	vst.idx.add.f32.msk @!p1 $0xffff, v3  }
0x4b: {  	[bflag:$0x0] =	sbarrier.arrive $0xFFFF  }
0x4c: {  	s15 =	rddreg [dreg:$0x10]  }
0x4d: {  	[hbm:s15], [sflag:s9] =	dma.local [spmem:s10], $0x2700  }
0x4e: {  	_ =	swait.ge [sflag:s29], $0x2700  }
0x4f: {  	[sflag:s29] =	ssyncset.done $0x0  }
0x50: {  	s10 =	rddreg [dreg:$0x11];
	[sflag:s29] =	ssyncadd.s32 $0xFFFFD900  }
0x51: {  	[hbm:s10], [sflag:s9] =	dma.local @!p0 [spmem:s11], $0x100  }
0x52: {  	s9 =	simm.s32 @!p0 $0x7  }
0x53: {  	s8 =	sadd.s32 $0x1, s8;
	_ =	swait.ge @!p0 [sflag:s9], $0x100  }
0x54: {  	p2 =	sne.s32 s8, s18;
	s17 =	simm.s32 $0x400;
	[sflag:s9] =	ssyncset.done @!p0 $0x0  }
.Ltmp1:
0x55: {  	s16 =	rddreg [dreg:$0x12];
	[sflag:s9] =	ssyncadd.s32 @!p0 $0xFFFFFF00;
	(pc) =	sbr.rel @!p2 .LBB2_7-.Ltmp1, $4  }
0x56: {  	[hbm4b:s16+s26] =	stream.strided.scatter [tilespmem:s3], [sflag:$0x7], $0x2780, s17, s26, $0x38;
	[tilespmem:$0x1E300] =	vst v63  }
0x57: {  	_ =	swait.ge [sflag:s29], $0x2780  }
0x58: {  	[sflag:s29] =	ssyncset.done $0x0  }
0x59: {  	[sflag:s29] =	ssyncadd.s32 $0xFFFFD880  }
.LBB2_1:
0x5a: {  	s9 =	rddreg [dreg:$0x6]  }
0x5b: {  	[tilespmem:s21], [sflag:$0x5] =	stream.linear.gather [hbm4b:s9+s3], $0x80, $0x38;
	[tilespmem:$0x1E300] =	vst v63  }
0x5c: {  	s13 =	rddreg [dreg:$0x7];
	s10 =	simm.s32 $0x2880  }
0x5d: {  	[tilespmem:s10], [sflag:$0x5] =	stream.linear.gather [hbm4b:s13+s3], $0x80, $0x38;
	[tilespmem:$0x1E300] =	vst v63  }
0x5e: {  	s14 =	rddreg [dreg:$0x8]  }
0x5f: {  	[tilespmem:s23], [sflag:$0x6] =	stream.linear.gather [hbm4b:s14+s3], $0x80, $0x38;
	[tilespmem:$0x1E300] =	vst v63  }
0x60: {  	s15 =	rddreg [dreg:$0x9]  }
0x61: {  	[tilespmem:s24], [sflag:$0x6] =	stream.linear.gather [hbm4b:s15+s3], $0x80, $0x38;
	[tilespmem:$0x1E300] =	vst v63  }
0x62: {  	_ =	swait.ge [sflag:s25], $0x80  }
0x63: {  	[sflag:s25] =	ssyncset.done $0x0  }
0x64: {  	s16 =	stileid.u32;
	[sflag:s25] =	ssyncadd.s32 $0xFFFFFF80  }
0x65: {  	s9 =	sshll.u32 s16, $0x6;
	_ =	swait.ge [sflag:s25], $0x80  }
0x66: {  	s9 =	sor.u32 $0x1C07, s9;
	[sflag:s25] =	ssyncset.done $0x0;
	s17 =	rddreg [dreg:$0xa]  }
0x67: {  	s11 =	rddreg [dreg:$0xb];
	[sflag:s25] =	ssyncadd.s32 $0xFFFFFF80;
	s10 =	sshrl.u32 s17, $0x3  }
0x68: {  	[tilespmem:s28], [sflag:$0x1] =	stream.indirect.gather [hbm4b:s1+s26], $0x80, s21, s26, $0xb8;
	[tilespmem:$0x1E300] =	vst v63  }
0x69: {  	[spmem:s10], [sflag:s9] =	dma.local [hbm:s11], $0x2700  }
0x6a: {  	_ =	swait.ge [sflag:s29], $0x2700  }
0x6b: {  	[sflag:s29] =	ssyncset.done $0x0;
	s11 =	rddreg [dreg:$0xc]  }
0x6c: {  	s12 =	rddreg [dreg:$0xd];
	[sflag:s29] =	ssyncadd.s32 $0xFFFFD900;
	s11 =	sshrl.u32 @!p0 s11, $0x3  }
0x6d: {  	[spmem:s11], [sflag:s9] =	dma.local @!p0 [hbm:s12], $0x100  }
0x6e: {  	s12 =	simm.s32 @!p0 $0x7  }
0x6f: {  	_ =	swait.ge @!p0 [sflag:s12], $0x100  }
0x70: {  	[sflag:s12] =	ssyncset.done @!p0 $0x0  }
0x71: {  	s13 =	simm.s32 $0x0;
	[sflag:s12] =	ssyncadd.s32 @!p0 $0xFFFFFF00;
	s12 =	simm.s32 $0x40  }
.LBB2_2:
0x72: {  	p2 =	sne.s32 s12, $0x9C00;
	[tilespmem:s13+$0x0] =	vst v0;
	s13 =	smov.u32 s12;
	s12 =	sadd.s32 $0x40, s12  }
.Ltmp2:
0x73: {  	(pc) =	sbr.rel @p2 .LBB2_2-.Ltmp2, $2  }
0x74: {  	_ =	sdelay $0x2  }
0x75: {  	s13 =	sshra.s32 s13, $0x2  }
0x76: {  	[tilespmem:s13+$0x0] =	vst v0  }
0x77: {  	s12 =	simm.s32 $0x0;
	[bflag:$0x0] =	sbarrier.arrive $0xFFFF  }
.LBB2_4:
0x78: {  	_ =	swait.ge [sflag:s30], $0x4000  }
0x79: {  	[sflag:s30] =	ssyncset.done $0x0  }
0x7a: {  	[sflag:s30] =	ssyncadd.s32 $0xFFFFC000  }
0x7b: {  	v2 =	vld [tilespmem:$0x2880]  }
0x7c: {  	v3 =	vld [tilespmem:$0x2890]  }
0x7d: {  	v4 =	vld [tilespmem:$0x28A0]  }
0x7e: {  	v5 =	vld [tilespmem:$0x28B0]  }
0x7f: {  	v6 =	vld [tilespmem:$0x28C0]  }
0x80: {  	v59 =	vld [tilespmem:$0x28F0];
	[tilespmem:$0x2980] =	vst v2  }
0x81: {  	v2 =	vld [tilespmem:$0x28D0];
	[tilespmem:$0x2990] =	vst v3  }
0x82: {  	v3 =	vld [tilespmem:$0x28E0];
	[tilespmem:$0x29A0] =	vst v4  }
0x83: {  	[tilespmem:$0x29B0] =	vst v5  }
0x84: {  	[tilespmem:$0x29C0] =	vst v6  }
0x85: {  	[tilespmem:$0x29F0] =	vst v59  }
0x86: {  	[tilespmem:$0x29D0] =	vst v2  }
0x87: {  	[tilespmem:$0x29E0] =	vst v3  }
0x88: {  	[spmem:s2] =	stream.indirect.scatter.add.f32 [tilespmem:s28], [sflag:$0x3], $0x80, s31, s26, $0xb8;
	[tilespmem:$0x1E300] =	vst v63  }
0x89: {  	v2 =	vld [tilespmem:$0x2980];
	_ =	sdelay $0x7  }
0x8a: {  	[tilespmem:v2+s3+$0x0] =	vst.idx.add.f32.msk $0xffff, v1  }
0x8b: {  	v2 =	vld [tilespmem:$0x2990];
	_ =	sdelay $0x7  }
0x8c: {  	[tilespmem:v2+s3+$0x0] =	vst.idx.add.f32.msk $0xffff, v1  }
0x8d: {  	v2 =	vld [tilespmem:$0x29A0];
	_ =	sdelay $0x7  }
0x8e: {  	[tilespmem:v2+s3+$0x0] =	vst.idx.add.f32.msk $0xffff, v1  }
0x8f: {  	v2 =	vld [tilespmem:$0x29B0];
	_ =	sdelay $0x7  }
0x90: {  	[tilespmem:v2+s3+$0x0] =	vst.idx.add.f32.msk $0xffff, v1  }
0x91: {  	v2 =	vld [tilespmem:$0x29C0];
	_ =	sdelay $0x7  }
0x92: {  	[tilespmem:v2+s3+$0x0] =	vst.idx.add.f32.msk $0xffff, v1  }
0x93: {  	v2 =	vld [tilespmem:$0x29D0];
	_ =	sdelay $0x7  }
0x94: {  	[tilespmem:v2+s3+$0x0] =	vst.idx.add.f32.msk $0xffff, v1  }
0x95: {  	v2 =	vld [tilespmem:$0x29E0];
	_ =	sdelay $0x7  }
0x96: {  	[tilespmem:v2+s3+$0x0] =	vst.idx.add.f32.msk $0xffff, v1  }
0x97: {  	v2 =	vld [tilespmem:$0x29F0];
	_ =	sdelay $0x5  }
0x98: {  	p2 =	seq.s32 s12, $0x9800  }
0x99: {  	s13 =	sadd.s32 @!p2 s12, s19  }
0x9a: {  	s14 =	simm.s32 @!p2 $0x0;
	s15 =	simm.s32 @!p2 $0x2780;
	s13 =	sadd.s32 @!p2 $0x400, s13;
	[tilespmem:v2+s3+$0x0] =	vst.idx.add.f32.msk $0xffff, v1  }
0x9b: {  	[tilespmem:s15], [sflag:$0x5] =	stream.linear.gather @!p2 [hbm4b:s13+s14], $0x80, $0x38;
	[tilespmem:$0x1E300] =	vst v63  }
0x9c: {  	p3 =	seq.s32 @!p2 s12, $0x0;
	s13 =	sadd.s32 @!p2 s12, s20  }
0x9d: {  	p3 =	por p2, !p3;
	s15 =	simm.s32 @!p2 $0x2880;
	s13 =	sadd.s32 @!p2 $0x400, s13  }
0x9e: {  	[tilespmem:s15], [sflag:$0x5] =	stream.linear.gather @!p2 [hbm4b:s13+s14], $0x80, $0x38;
	[tilespmem:$0x1E300] =	vst v63  }
0x9f: {  	_ =	swait.ge @p3 [sflag:s7], $0x4000  }
0xa0: {  	[sflag:s7] =	ssyncset.done @p3 $0x0  }
0xa1: {  	[sflag:s7] =	ssyncadd.s32 @p3 $0xFFFFC000  }
0xa2: {  	_ =	swait.ge [sflag:s0], $0x80  }
0xa3: {  	[sflag:s0] =	ssyncset.done $0x0  }
0xa4: {  	[sflag:s0] =	ssyncadd.s32 $0xFFFFFF80  }
0xa5: {  	_ =	swait.ge [sflag:s0], $0x80  }
0xa6: {  	[sflag:s0] =	ssyncset.done $0x0  }
0xa7: {  	[sflag:s0] =	ssyncadd.s32 $0xFFFFFF80  }
0xa8: {  	[tilespmem:s22], [sflag:$0x2] =	stream.indirect.gather [hbm4b:s1+s26], $0x80, s23, s26, $0xb8;
	[tilespmem:$0x1E300] =	vst v63  }
0xa9: {  	_ =	swait.ge [sflag:s4], $0x4000  }
0xaa: {  	[sflag:s4] =	ssyncset.done $0x0  }
0xab: {  	[sflag:s4] =	ssyncadd.s32 $0xFFFFC000  }
0xac: {  	v2 =	vld [tilespmem:$0x2900]  }
0xad: {  	v3 =	vld [tilespmem:$0x2910]  }
0xae: {  	v60 =	vld [tilespmem:$0x2920]  }
0xaf: {  	v61 =	vld [tilespmem:$0x2930]  }
0xb0: {  	v62 =	vld [tilespmem:$0x2940]  }
0xb1: {  	v63 =	vld [tilespmem:$0x2970];
	[tilespmem:$0x2A00] =	vst v2  }
0xb2: {  	v2 =	vld [tilespmem:$0x2950];
	[tilespmem:$0x2A10] =	vst v3  }
0xb3: {  	v3 =	vld [tilespmem:$0x2960];
	[tilespmem:$0x2A20] =	vst v60  }
0xb4: {  	[tilespmem:$0x2A30] =	vst v61  }
0xb5: {  	[tilespmem:$0x2A40] =	vst v62  }
0xb6: {  	[tilespmem:$0x2A70] =	vst v63  }
0xb7: {  	[tilespmem:$0x2A50] =	vst v2  }
0xb8: {  	[tilespmem:$0x2A60] =	vst v3  }
0xb9: {  	[spmem:s2] =	stream.indirect.scatter.add.f32 [tilespmem:s22], [sflag:$0x4], $0x80, s5, s26, $0xb8;
	[tilespmem:$0x1E300] =	vst v63  }
0xba: {  	v2 =	vld [tilespmem:$0x2A00];
	_ =	sdelay $0x7  }
0xbb: {  	[tilespmem:v2+s3+$0x0] =	vst.idx.add.f32.msk $0xffff, v1  }
0xbc: {  	v2 =	vld [tilespmem:$0x2A10];
	_ =	sdelay $0x7  }
0xbd: {  	[tilespmem:v2+s3+$0x0] =	vst.idx.add.f32.msk $0xffff, v1  }
0xbe: {  	v2 =	vld [tilespmem:$0x2A20];
	_ =	sdelay $0x7  }
0xbf: {  	[tilespmem:v2+s3+$0x0] =	vst.idx.add.f32.msk $0xffff, v1  }
0xc0: {  	v2 =	vld [tilespmem:$0x2A30];
	_ =	sdelay $0x7  }
0xc1: {  	[tilespmem:v2+s3+$0x0] =	vst.idx.add.f32.msk $0xffff, v1  }
0xc2: {  	v2 =	vld [tilespmem:$0x2A40];
	_ =	sdelay $0x7  }
0xc3: {  	[tilespmem:v2+s3+$0x0] =	vst.idx.add.f32.msk $0xffff, v1  }
0xc4: {  	v2 =	vld [tilespmem:$0x2A50];
	_ =	sdelay $0x7  }
0xc5: {  	[tilespmem:v2+s3+$0x0] =	vst.idx.add.f32.msk $0xffff, v1  }
0xc6: {  	v2 =	vld [tilespmem:$0x2A60];
	_ =	sdelay $0x7  }
0xc7: {  	[tilespmem:v2+s3+$0x0] =	vst.idx.add.f32.msk $0xffff, v1  }
0xc8: {  	v2 =	vld [tilespmem:$0x2A70];
	_ =	sdelay $0x3  }
.Ltmp3:
0xc9: {  	_ = 	snop;
	(pc) =	sbr.rel @p2 .LBB2_6-.Ltmp3, $2  }
0xca: {  	_ =	sdelay $0x2  }
0xcb: {  	[tilespmem:v2+s3+$0x0] =	vst.idx.add.f32.msk $0xffff, v1  }
0xcc: {  	s13 =	sadd.s32 s12, s19  }
0xcd: {  	s17 =	sadd.s32 s12, s20;
	s13 =	sadd.s32 $0x600, s13  }
0xce: {  	[tilespmem:s23], [sflag:$0x6] =	stream.linear.gather [hbm4b:s13+s3], $0x80, $0x38;
	[tilespmem:$0x1E300] =	vst v63  }
0xcf: {  	s13 =	sadd.s32 $0x600, s17  }
0xd0: {  	[tilespmem:s24], [sflag:$0x6] =	stream.linear.gather [hbm4b:s13+s3], $0x80, $0x38;
	[tilespmem:$0x1E300] =	vst v63  }
0xd1: {  	_ =	swait.ge [sflag:s6], $0x4000  }
0xd2: {  	[sflag:s6] =	ssyncset.done $0x0  }
0xd3: {  	[sflag:s6] =	ssyncadd.s32 $0xFFFFC000  }
0xd4: {  	_ =	swait.ge [sflag:s25], $0x80  }
0xd5: {  	[sflag:s25] =	ssyncset.done $0x0  }
.Ltmp4:
0xd6: {  	[sflag:s25] =	ssyncadd.s32 $0xFFFFFF80;
	(pc) =	sbr.rel .LBB2_4-.Ltmp4, $4  }
0xd7: {  	_ =	swait.ge [sflag:s25], $0x80  }
0xd8: {  	[sflag:s25] =	ssyncset.done $0x0  }
0xd9: {  	s12 =	sadd.s32 $0x400, s12;
	[sflag:s25] =	ssyncadd.s32 $0xFFFFFF80  }
0xda: {  	[tilespmem:s28], [sflag:$0x1] =	stream.indirect.gather [hbm4b:s1+s26], $0x80, s21, s26, $0xb8;
	[tilespmem:$0x1E300] =	vst v63  }
.LBB2_7:
0xdb: {  	_ =	sfence.sel $0x180000  }
0xdc: {  	[bflag:$0x0] =	sbarrier.arrive $0xFFFF  }
0xdd: {  	_ =	strace $0x90000047  }
0xde: {  	[bflag:$0x2] =	sbarrier.arrive $0xFFFF  }
0xdf: {  	s0 =	rddreg [dreg:$0x5]  }
0xe0: {  	s0 =	sadd.s32 @!p0 $0x100000, s0  }
0xe1: {  	[sflag:s0] =	ssyncadd.tile.s32 @!p0 $0x1;
	_ =	shalt  }
.Lfunc_end2:
_tile_overlayer_lowered:
.L_overlay_start_2:
0xe2: {  	(tag) =	ssettag $0x2  }
0xe3: {  	s0 =	rddreg [dreg:$0x0];
	s2 =	stileid.u32  }
0xe4: {  	s1 =	rddreg [dreg:$0x1];
	p0 =	sne.s32 s2, $0x0  }
0xe5: {  	s3 =	rddreg [dreg:$0x2];
	[bflag:$0x3] =	sbarrier.arrive $0xFFFF;
	s2 =	simm.s32 @!p0 $0x1C07  }
0xe6: {  	[timem:s3], [sflag:s2] =	dma.local @!p0 [hbm:s0], s1  }
0xe7: {  	s0 =	simm.s32 @!p0 $0x7  }
0xe8: {  	_ =	swait.ge @!p0 [sflag:s0], s1  }
0xe9: {  	s1 =	ssub.s32 @!p0 $0x0, s1;
	[sflag:s0] =	ssyncset.done @!p0 $0x0  }
0xea: {  	[sflag:s0] =	ssyncadd.s32 @!p0 s1  }
0xeb: {  	[bflag:$0x3] =	sbarrier.arrive $0xFFFF  }
0xec: {  	_ =	shalt  }

</sc_bundles>
